<compile_context>
chip_gen: v7x
topology: tpu7x:2x2x1
jax: 0.10.2.dev20260603
libtpu: 0.0.44.dev20260713+nightly
codegen_flags: <defaults>
</compile_context>

<pallas_src>
import functools

import jax
import jax.numpy as jnp
from jax import lax
from jax.experimental import pallas as pl
from jax.experimental.pallas import tpu as pltpu
from jax.experimental.pallas import tpu_sc as plsc

_ERRP = 0.05
_V = 64
_NC = 2
_NS = 16
_LANES = 16
_CHUNK_ROWS = 256


def _dest_table(bl):
    key = jax.random.key(42)
    k1, k2 = jax.random.split(key)
    tm = jax.random.uniform(k1, (bl, _V - 1)) < _ERRP
    repl_ids = jax.random.randint(k2, (bl, _V - 1), 0, _V - 2)
    s = jnp.arange(1, _V, dtype=jnp.int32)[None, :]
    repl_sym = jnp.where(repl_ids + 1 < s, repl_ids + 1, repl_ids + 2)
    dest = jnp.where(tm, repl_sym, s).astype(jnp.int32)
    return jnp.concatenate([jnp.zeros((bl, 1), jnp.int32), dest], axis=1)


def _sc_scatter_body(m_hbm, dest_hbm, out_hbm, val_v, idx_v, acc_v):
    nw = _NC * _NS
    wid = lax.axis_index("s") * _NC + lax.axis_index("c")
    total = m_hbm.shape[0]
    per_w = total // nw
    chunk = _CHUNK_ROWS * _V
    n_chunks = per_w // chunk
    wbase = wid * per_w

    def chunk_body(c, _):
        base = wbase + c * chunk
        pltpu.sync_copy(m_hbm.at[pl.ds(base, chunk)], val_v)
        pltpu.sync_copy(dest_hbm.at[pl.ds(base, chunk)], idx_v)

        def row_body(r, carry):
            rb = r * _V
            for q in range(_V // _LANES):
                acc_v[pl.ds(rb + q * _LANES, _LANES)] = jnp.zeros(
                    (_LANES,), jnp.float32
                )
            for q in range(_V // _LANES):
                idx = idx_v[pl.ds(rb + q * _LANES, _LANES)] + rb
                val = val_v[pl.ds(rb + q * _LANES, _LANES)]
                plsc.addupdate_scatter(acc_v, [idx], val)
            return carry

        lax.fori_loop(0, _CHUNK_ROWS, row_body, 0)
        pltpu.sync_copy(acc_v, out_hbm.at[pl.ds(base, chunk)])
        return 0

    lax.fori_loop(0, n_chunks, chunk_body, 0)


def _sc_scatter(m_flat, dest_flat):
    total = m_flat.shape[0]
    chunk = _CHUNK_ROWS * _V
    mesh = plsc.VectorSubcoreMesh(core_axis_name="c", subcore_axis_name="s")
    return pl.kernel(
        _sc_scatter_body,
        mesh=mesh,
        out_type=jax.ShapeDtypeStruct((total,), jnp.float32),
        scratch_types=[
            pltpu.VMEM((chunk,), jnp.float32),
            pltpu.VMEM((chunk,), jnp.int32),
            pltpu.VMEM((chunk,), jnp.float32),
        ],
        compiler_params=pltpu.CompilerParams(needs_layout_passes=False),
    )(m_flat, dest_flat)


def _tc_probs_body(p_ref, po_ref):
    p = p_ref[...]
    rows = p.shape[0]
    lane = lax.broadcasted_iota(jnp.int32, (rows, _V), 1)
    p0 = p[:, 0:1]
    po_ref[...] = jnp.where(
        lane == 0, p, p * (1.0 - _ERRP) + (1.0 - p - p0) * (_ERRP / (_V - 2))
    )


def _tc_probs(p2):
    bl = p2.shape[0]
    rows = 1024
    return pl.pallas_call(
        _tc_probs_body,
        grid=(bl // rows,),
        in_specs=[pl.BlockSpec((rows, _V), lambda i: (i, 0))],
        out_specs=pl.BlockSpec((rows, _V), lambda i: (i, 0)),
        out_shape=jax.ShapeDtypeStruct((bl, _V), jnp.float32),
    )(p2)


def kernel(messages, probs):
    B, L, V = messages.shape
    bl = B * L
    dest = _dest_table(bl)

    m_flat = messages.reshape(bl * V)
    dest_flat = dest.reshape(bl * V)
    mo = _sc_scatter(m_flat, dest_flat)
    po = _tc_probs(probs.reshape(bl, V))

    eos = jnp.zeros((B, L), jnp.float32)
    return (mo.reshape(B, L, V), messages, po.reshape(B, L, V), probs, eos)

# --- scband reference (transcript-rebuilt; emitter-appended) ---
"""Pipeline reference for scband-symmetric-channel-30468497998502 (READ-ONLY COPY).

The authoritative reference and input builder live on the scoring server;
editing this copy changes nothing except your own understanding.
"""

import jax, jax.numpy as jnp
import numpy as np

ERROR_PROB = 0.05
MAX_LEN = 50
VOCAB = 64
BATCH = 4096


def setup_inputs(seed: int = 0) -> dict:
    key = jax.random.key(seed)
    k1, k2 = jax.random.split(key)
    messages = jax.random.uniform(k1, (BATCH, MAX_LEN, VOCAB), dtype=jnp.float32)
    messages = messages / messages.sum(-1, keepdims=True)  # GS samples lie on the simplex
    probs = jax.random.uniform(k2, (BATCH, MAX_LEN, VOCAB), dtype=jnp.float32)
    probs = probs / probs.sum(-1, keepdims=True)  # valid per-symbol distributions
    return {"messages": messages, "probs": probs}


def _gs_noise(messages, probs):
    # SymmetricChannel.gs with apply_noise=True, training branch
    B, L, V = messages.shape
    BL = B * L
    p = ERROR_PROB
    m = messages.reshape(BL, V)
    key = jax.random.key(42)
    k1, k2 = jax.random.split(key)
    # which non-EOS positions get corrupted
    target_mask = (jax.random.uniform(k1, (BL, V - 1)) < p).astype(m.dtype)
    # uniform replacement among the V-2 non-EOS symbols != target symbol
    repl_ids = jax.random.randint(k2, (BL, V - 1), 0, V - 2)
    s = jnp.arange(1, V)[None, :]  # target symbol ids (1..V-1)
    repl_sym = jnp.where(repl_ids + 1 < s, repl_ids + 1, repl_ids + 2)
    vals = m[:, 1:] * target_mask  # mass moved off each targeted symbol
    adj = jnp.zeros((BL, V), dtype=m.dtype)
    adj = adj.at[:, 1:].add(-vals)
    row_idx = jnp.broadcast_to(jnp.arange(BL)[:, None], (BL, V - 1))
    adj = adj.at[row_idx, repl_sym].add(vals)  # scatter-add moved mass to replacements
    m_out = (m + adj).reshape(B, L, V)
    # exact probability update
    p_repl = (1.0 - probs[:, :, 1:] - probs[:, :, :1]) * (p / (V - 2))
    probs_out = jnp.concatenate(
        [probs[:, :, :1], probs[:, :, 1:] * (1.0 - p) + p_repl], axis=-1
    )
    return m_out, probs_out


def reference(messages, probs):
    # forward: gs(noise=True) and gs(noise=False) (identity)
    m_noisy, p_noisy = _gs_noise(messages, probs)
    m_nn, p_nn = messages, probs
    accumulated_eos_prob = jnp.zeros_like(messages[:, :, 0])
    return (m_noisy, m_nn, p_noisy, p_nn, accumulated_eos_prob)

if __name__ == "__main__":
    import jax
    _d = setup_inputs()
    print(jax.jit(kernel)(*tuple(_d.values())))

</pallas_src>

<mosaic_0001>
#map = affine_map<(d0, d1) -> (0)>
module attributes {stable_mosaic.version = 14 : i64} {
  func.func @_sc_scatter_body(%arg0: i32, %arg1: i32, %arg2: memref<13107200xf32, #tpu.memory_space<hbm>>, %arg3: memref<13107200xi32, #tpu.memory_space<hbm>>, %arg4: memref<13107200xf32, #tpu.memory_space<hbm>>, %arg5: memref<16384xf32, #tpu.memory_space<vmem>>, %arg6: memref<16384xi32, #tpu.memory_space<vmem>>, %arg7: memref<16384xf32, #tpu.memory_space<vmem>>) attributes {dimension_semantics = [#tpu.dimension_semantics<core_parallel>, #tpu.dimension_semantics<subcore_parallel>], iteration_bounds = array<i64: 2, 16>, scalar_prefetch = 0 : i64, scratch_operands = 3 : i64, tpu.core_type = #tpu.core_type<sc_vector_subcore>, window_params = [{transform_indices = #map}, {transform_indices = #map}, {transform_indices = #map}]} {
    %mul3A = arith.constant 2 : i32
    %mul3A_0 = arith.muli %arg1, %mul3A : i32
    %add3A = arith.addi %mul3A_0, %arg0 : i32
    %mul3A_1 = arith.constant 409600 : i32
    %mul3A_2 = arith.muli %add3A, %mul3A_1 : i32
    %scan3A = arith.constant 0 : i32
    %scan3A_3 = arith.constant 0 : i32
    %scan3A_4 = arith.constant 25 : i32
    %scan3A_5 = arith.addi %scan3A_3, %scan3A_4 : i32
    %scan3A_6 = arith.constant 1 : i32
    %scan3A_7 = scf.for %scan3A_9 = %scan3A_3 to %scan3A_5 step %scan3A_6 iter_args(%scan3A_10 = %scan3A) -> (i32)  : i32 {
      %mul3A_11 = arith.constant 16384 : i32
      %mul3A_12 = arith.muli %scan3A_9, %mul3A_11 : i32
      %add3A_13 = arith.addi %mul3A_2, %mul3A_12 : i32
      "tpu.region"() ({
        %run_scoped3A = tpu.sem_alloc : memref<!tpu.dma_semaphore, #tpu.memory_space<semaphore_mem>>
        %dma_start3A = tpu.memref_slice %arg2[%add3A_13] : memref<13107200xf32, #tpu.memory_space<hbm>> -> memref<16384xf32, #tpu.memory_space<hbm>>
        %dma_start3A_21 = tpu.memref_slice %arg2[%add3A_13] : memref<13107200xf32, #tpu.memory_space<hbm>> -> memref<16384xf32, #tpu.memory_space<hbm>>
        tpu.enqueue_dma source(%dma_start3A_21 : memref<16384xf32, #tpu.memory_space<hbm>>) target(%arg5 : memref<16384xf32, #tpu.memory_space<vmem>>) target_semaphore(%run_scoped3A : memref<!tpu.dma_semaphore, #tpu.memory_space<semaphore_mem>>)
        %dma_wait3A = tpu.memref_slice %arg2[%add3A_13] : memref<13107200xf32, #tpu.memory_space<hbm>> -> memref<16384xf32, #tpu.memory_space<hbm>>
        %dma_wait3A_22 = tpu.memref_slice %arg2[%add3A_13] : memref<13107200xf32, #tpu.memory_space<hbm>> -> memref<16384xf32, #tpu.memory_space<hbm>>
        tpu.wait_dma2 semaphore(%run_scoped3A : memref<!tpu.dma_semaphore, #tpu.memory_space<semaphore_mem>>) src(%dma_wait3A_22 : memref<16384xf32, #tpu.memory_space<hbm>>) dst(%arg5 : memref<16384xf32, #tpu.memory_space<vmem>>)
        tpu.yield
      }) : () -> ()
      "tpu.region"() ({
        %run_scoped3A = tpu.sem_alloc : memref<!tpu.dma_semaphore, #tpu.memory_space<semaphore_mem>>
        %dma_start3A = tpu.memref_slice %arg3[%add3A_13] : memref<13107200xi32, #tpu.memory_space<hbm>> -> memref<16384xi32, #tpu.memory_space<hbm>>
        %dma_start3A_21 = tpu.memref_slice %arg3[%add3A_13] : memref<13107200xi32, #tpu.memory_space<hbm>> -> memref<16384xi32, #tpu.memory_space<hbm>>
        tpu.enqueue_dma source(%dma_start3A_21 : memref<16384xi32, #tpu.memory_space<hbm>>) target(%arg6 : memref<16384xi32, #tpu.memory_space<vmem>>) target_semaphore(%run_scoped3A : memref<!tpu.dma_semaphore, #tpu.memory_space<semaphore_mem>>)
        %dma_wait3A = tpu.memref_slice %arg3[%add3A_13] : memref<13107200xi32, #tpu.memory_space<hbm>> -> memref<16384xi32, #tpu.memory_space<hbm>>
        %dma_wait3A_22 = tpu.memref_slice %arg3[%add3A_13] : memref<13107200xi32, #tpu.memory_space<hbm>> -> memref<16384xi32, #tpu.memory_space<hbm>>
        tpu.wait_dma2 semaphore(%run_scoped3A : memref<!tpu.dma_semaphore, #tpu.memory_space<semaphore_mem>>) src(%dma_wait3A_22 : memref<16384xi32, #tpu.memory_space<hbm>>) dst(%arg6 : memref<16384xi32, #tpu.memory_space<vmem>>)
        tpu.yield
      }) : () -> ()
      %scan3A_14 = arith.constant 0 : i32
      %scan3A_15 = arith.constant 0 : i32
      %scan3A_16 = arith.constant 256 : i32
      %scan3A_17 = arith.addi %scan3A_15, %scan3A_16 : i32
      %scan3A_18 = arith.constant 1 : i32
      scf.for %scan3A_21 = %scan3A_15 to %scan3A_17 step %scan3A_18  : i32 {
        %mul3A_22 = arith.constant 64 : i32
        %mul3A_23 = arith.muli %scan3A_21, %mul3A_22 : i32
        %broadcast_in_dim3A = arith.constant 0.000000e+00 : f32
        %broadcast_in_dim3A_24 = vector.broadcast %broadcast_in_dim3A : f32 to vector<16xf32>
        %add3A_25 = arith.constant 0 : i32
        %add3A_26 = arith.addi %mul3A_23, %add3A_25 : i32
        %swap3A = arith.index_cast %add3A_26 : i32 to index
        %swap3A_27 = tpu.vector_load %arg7[%swap3A] {strides = array<i32>} : memref<16384xf32, #tpu.memory_space<vmem>>, vector<16xf32>,
        tpu.vector_store %arg7[%swap3A], %broadcast_in_dim3A_24 {strides = array<i32>} : memref<16384xf32, #tpu.memory_space<vmem>>, vector<16xf32>,
        %broadcast_in_dim3A_28 = arith.constant 0.000000e+00 : f32
        %broadcast_in_dim3A_29 = vector.broadcast %broadcast_in_dim3A_28 : f32 to vector<16xf32>
        %add3A_30 = arith.constant 16 : i32
        %add3A_31 = arith.addi %mul3A_23, %add3A_30 : i32
        %swap3A_32 = arith.index_cast %add3A_31 : i32 to index
        %swap3A_33 = tpu.vector_load %arg7[%swap3A_32] {strides = array<i32>} : memref<16384xf32, #tpu.memory_space<vmem>>, vector<16xf32>,
        tpu.vector_store %arg7[%swap3A_32], %broadcast_in_dim3A_29 {strides = array<i32>} : memref<16384xf32, #tpu.memory_space<vmem>>, vector<16xf32>,
        %broadcast_in_dim3A_34 = arith.constant 0.000000e+00 : f32
        %broadcast_in_dim3A_35 = vector.broadcast %broadcast_in_dim3A_34 : f32 to vector<16xf32>
        %add3A_36 = arith.constant 32 : i32
        %add3A_37 = arith.addi %mul3A_23, %add3A_36 : i32
        %swap3A_38 = arith.index_cast %add3A_37 : i32 to index
        %swap3A_39 = tpu.vector_load %arg7[%swap3A_38] {strides = array<i32>} : memref<16384xf32, #tpu.memory_space<vmem>>, vector<16xf32>,
        tpu.vector_store %arg7[%swap3A_38], %broadcast_in_dim3A_35 {strides = array<i32>} : memref<16384xf32, #tpu.memory_space<vmem>>, vector<16xf32>,
        %broadcast_in_dim3A_40 = arith.constant 0.000000e+00 : f32
        %broadcast_in_dim3A_41 = vector.broadcast %broadcast_in_dim3A_40 : f32 to vector<16xf32>
        %add3A_42 = arith.constant 48 : i32
        %add3A_43 = arith.addi %mul3A_23, %add3A_42 : i32
        %swap3A_44 = arith.index_cast %add3A_43 : i32 to index
        %swap3A_45 = tpu.vector_load %arg7[%swap3A_44] {strides = array<i32>} : memref<16384xf32, #tpu.memory_space<vmem>>, vector<16xf32>,
        tpu.vector_store %arg7[%swap3A_44], %broadcast_in_dim3A_41 {strides = array<i32>} : memref<16384xf32, #tpu.memory_space<vmem>>, vector<16xf32>,
        %add3A_46 = arith.constant 0 : i32
        %add3A_47 = arith.addi %mul3A_23, %add3A_46 : i32
        %get3A = arith.index_cast %add3A_47 : i32 to index
        %get3A_48 = tpu.vector_load %arg6[%get3A] {strides = array<i32>} : memref<16384xi32, #tpu.memory_space<vmem>>, vector<16xi32>,
        %add3A_49 = vector.broadcast %mul3A_23 : i32 to vector<16xi32>
        %add3A_50 = arith.addi %get3A_48, %add3A_49 : vector<16xi32>
        %add3A_51 = arith.constant 0 : i32
        %add3A_52 = arith.addi %mul3A_23, %add3A_51 : i32
        %get3A_53 = arith.index_cast %add3A_52 : i32 to index
        %get3A_54 = tpu.vector_load %arg5[%get3A_53] {strides = array<i32>} : memref<16384xf32, #tpu.memory_space<vmem>>, vector<16xf32>,
        tpu.vector_store_idx %arg7[%add3A_50], %get3A_54 {add = true} : memref<16384xf32, #tpu.memory_space<vmem>>[vector<16xi32>], vector<16xf32>,
        %add3A_55 = arith.constant 16 : i32
        %add3A_56 = arith.addi %mul3A_23, %add3A_55 : i32
        %get3A_57 = arith.index_cast %add3A_56 : i32 to index
        %get3A_58 = tpu.vector_load %arg6[%get3A_57] {strides = array<i32>} : memref<16384xi32, #tpu.memory_space<vmem>>, vector<16xi32>,
        %add3A_59 = vector.broadcast %mul3A_23 : i32 to vector<16xi32>
        %add3A_60 = arith.addi %get3A_58, %add3A_59 : vector<16xi32>
        %add3A_61 = arith.constant 16 : i32
        %add3A_62 = arith.addi %mul3A_23, %add3A_61 : i32
        %get3A_63 = arith.index_cast %add3A_62 : i32 to index
        %get3A_64 = tpu.vector_load %arg5[%get3A_63] {strides = array<i32>} : memref<16384xf32, #tpu.memory_space<vmem>>, vector<16xf32>,
        tpu.vector_store_idx %arg7[%add3A_60], %get3A_64 {add = true} : memref<16384xf32, #tpu.memory_space<vmem>>[vector<16xi32>], vector<16xf32>,
        %add3A_65 = arith.constant 32 : i32
        %add3A_66 = arith.addi %mul3A_23, %add3A_65 : i32
        %get3A_67 = arith.index_cast %add3A_66 : i32 to index
        %get3A_68 = tpu.vector_load %arg6[%get3A_67] {strides = array<i32>} : memref<16384xi32, #tpu.memory_space<vmem>>, vector<16xi32>,
        %add3A_69 = vector.broadcast %mul3A_23 : i32 to vector<16xi32>
        %add3A_70 = arith.addi %get3A_68, %add3A_69 : vector<16xi32>
        %add3A_71 = arith.constant 32 : i32
        %add3A_72 = arith.addi %mul3A_23, %add3A_71 : i32
        %get3A_73 = arith.index_cast %add3A_72 : i32 to index
        %get3A_74 = tpu.vector_load %arg5[%get3A_73] {strides = array<i32>} : memref<16384xf32, #tpu.memory_space<vmem>>, vector<16xf32>,
        tpu.vector_store_idx %arg7[%add3A_70], %get3A_74 {add = true} : memref<16384xf32, #tpu.memory_space<vmem>>[vector<16xi32>], vector<16xf32>,
        %add3A_75 = arith.constant 48 : i32
        %add3A_76 = arith.addi %mul3A_23, %add3A_75 : i32
        %get3A_77 = arith.index_cast %add3A_76 : i32 to index
        %get3A_78 = tpu.vector_load %arg6[%get3A_77] {strides = array<i32>} : memref<16384xi32, #tpu.memory_space<vmem>>, vector<16xi32>,
        %add3A_79 = vector.broadcast %mul3A_23 : i32 to vector<16xi32>
        %add3A_80 = arith.addi %get3A_78, %add3A_79 : vector<16xi32>
        %add3A_81 = arith.constant 48 : i32
        %add3A_82 = arith.addi %mul3A_23, %add3A_81 : i32
        %get3A_83 = arith.index_cast %add3A_82 : i32 to index
        %get3A_84 = tpu.vector_load %arg5[%get3A_83] {strides = array<i32>} : memref<16384xf32, #tpu.memory_space<vmem>>, vector<16xf32>,
        tpu.vector_store_idx %arg7[%add3A_80], %get3A_84 {add = true} : memref<16384xf32, #tpu.memory_space<vmem>>[vector<16xi32>], vector<16xf32>,
      }
      %scan3A_19 = arith.constant 256 : i32
      "tpu.region"() ({
        %run_scoped3A = tpu.sem_alloc : memref<!tpu.dma_semaphore, #tpu.memory_space<semaphore_mem>>
        %dma_start3A = tpu.memref_slice %arg4[%add3A_13] : memref<13107200xf32, #tpu.memory_space<hbm>> -> memref<16384xf32, #tpu.memory_space<hbm>>
        %dma_start3A_21 = tpu.memref_slice %arg4[%add3A_13] : memref<13107200xf32, #tpu.memory_space<hbm>> -> memref<16384xf32, #tpu.memory_space<hbm>>
        tpu.enqueue_dma source(%arg7 : memref<16384xf32, #tpu.memory_space<vmem>>) target(%dma_start3A_21 : memref<16384xf32, #tpu.memory_space<hbm>>) target_semaphore(%run_scoped3A : memref<!tpu.dma_semaphore, #tpu.memory_space<semaphore_mem>>)
        %dma_wait3A = tpu.memref_slice %arg4[%add3A_13] : memref<13107200xf32, #tpu.memory_space<hbm>> -> memref<16384xf32, #tpu.memory_space<hbm>>
        %dma_wait3A_22 = tpu.memref_slice %arg4[%add3A_13] : memref<13107200xf32, #tpu.memory_space<hbm>> -> memref<16384xf32, #tpu.memory_space<hbm>>
        tpu.wait_dma2 semaphore(%run_scoped3A : memref<!tpu.dma_semaphore, #tpu.memory_space<semaphore_mem>>) src(%arg7 : memref<16384xf32, #tpu.memory_space<vmem>>) dst(%dma_wait3A_22 : memref<16384xf32, #tpu.memory_space<hbm>>)
        tpu.yield
      }) : () -> ()
      %scan3A_20 = arith.constant 0 : i32
      scf.yield %scan3A_20 : i32
    }
    %scan3A_8 = arith.constant 25 : i32
    return
  }
}

module attributes {stable_mosaic.version = 14 : i64} {
  func.func @_tc_probs_body(%arg0: i32, %arg1: memref<1024x64xf32, #tpu.memory_space<vmem>>, %arg2: memref<1024x64xf32, #tpu.memory_space<vmem>>) attributes {dimension_semantics = [#tpu.dimension_semantics<arbitrary>], iteration_bounds = array<i64: 200>, scalar_prefetch = 0 : i64, scratch_operands = 0 : i64, tpu.core_type = #tpu.core_type<tc>, window_params = [{transform_indices = @transform_0, window_bounds = array<i64: 1024, 64>}, {transform_indices = @transform_1, window_bounds = array<i64: 1024, 64>}]} {
    %get3A = arith.constant 0 : index
    %get3A_0 = arith.constant 0 : index
    %get3A_1 = vector.load %arg1[%get3A, %get3A_0] : memref<1024x64xf32, #tpu.memory_space<vmem>>, vector<1024x64xf32>
    %iota3A = tpu.iota {dimensions = array<i32: 1>} : vector<1024x64xi32>
    %slice3A = vector.extract_strided_slice %get3A_1 {offsets = [0, 0], sizes = [1024, 1], strides = [1, 1]} : vector<1024x64xf32> to vector<1024x1xf32>
    %eq3A = arith.constant 0 : i32
    %eq3A_2 = vector.broadcast %eq3A : i32 to vector<1024x64xi32>
    %eq3A_3 = arith.cmpi eq, %iota3A, %eq3A_2 : vector<1024x64xi32>
    %mul3A = arith.constant 0.949999988 : f32
    %mul3A_4 = vector.broadcast %mul3A : f32 to vector<1024x64xf32>
    %mul3A_5 = arith.mulf %get3A_1, %mul3A_4 : vector<1024x64xf32>
    %sub3A = arith.constant 1.000000e+00 : f32
    %sub3A_6 = vector.broadcast %sub3A : f32 to vector<1024x64xf32>
    %sub3A_7 = arith.subf %sub3A_6, %get3A_1 : vector<1024x64xf32>
    %sub3A_8 = vector.broadcast %slice3A : vector<1024x1xf32> to vector<1024x64xf32>
    %sub3A_9 = arith.subf %sub3A_7, %sub3A_8 : vector<1024x64xf32>
    %mul3A_10 = arith.constant 8.06451601E-4 : f32
    %mul3A_11 = vector.broadcast %mul3A_10 : f32 to vector<1024x64xf32>
    %mul3A_12 = arith.mulf %sub3A_9, %mul3A_11 : vector<1024x64xf32>
    %add3A = arith.addf %mul3A_5, %mul3A_12 : vector<1024x64xf32>
    %select_n3A = arith.select %eq3A_3, %get3A_1, %add3A : vector<1024x64xi1>, vector<1024x64xf32>
    %swap3A = arith.constant 0 : index
    %swap3A_13 = arith.constant 0 : index
    %swap3A_14 = vector.load %arg2[%swap3A, %swap3A_13] : memref<1024x64xf32, #tpu.memory_space<vmem>>, vector<1024x64xf32>
    tpu.vector_store %arg2[%swap3A, %swap3A_13], %select_n3A {strides = array<i32>} : memref<1024x64xf32, #tpu.memory_space<vmem>>, vector<1024x64xf32>,
    return
  }
  func.func @transform_0(%arg0: i32) -> (i32, i32) {
    %c0_i32 = arith.constant 0 : i32
    %c0_i32_0 = arith.constant 0 : i32
    return %arg0, %c0_i32 : i32, i32
  }
  func.func @transform_1(%arg0: i32) -> (i32, i32) {
    %c0_i32 = arith.constant 0 : i32
    %c0_i32_0 = arith.constant 0 : i32
    return %arg0, %c0_i32 : i32, i32
  }
}

</mosaic_0001>

<sc_bundles>
// kernel: kernel.4.cloned.1.call-start
scs
__scs_entry_jumppad:
0x0: {  	(pc) =	sbr.rel $0x88, $3  }
0x1: {  	(tag) =	ssettag $0x0;
	lr =	simm.s32 $0x1  }
0x2: {  	[smem:$0x3F9F] =	sst lr;
	_ =	strace $0xD0000000  }
0x3: {  	_ = 	snop  }
0x4: {  	_ = 	snop  }
0x5: {  	_ = 	snop  }
0x6: {  	_ = 	snop  }
0x7: {  	_ = 	snop  }
__scs_overlays_trampoline_lowered:
0x8: {  	[smem:$0x3FAE] =	sst s0  }
0x9: {  	[smem:$0x3FAF] =	sst s1  }
0xa: {  	[smem:$0x3FB0] =	sst s2  }
0xb: {  	[smem:$0x3FB1] =	sst s3  }
0xc: {  	[smem:$0x3FB2] =	sst s4  }
0xd: {  	[smem:$0x3FB3] =	sst s5  }
0xe: {  	[smem:$0x3FB4] =	sst s6  }
0xf: {  	[smem:$0x3FB5] =	sst s7  }
0x10: {  	[smem:$0x3FB6] =	sst s8  }
0x11: {  	[smem:$0x3FB7] =	sst s9;
	s0 =	simm.s32 @!p0 $0x0  }
0x12: {  	s1 =	sld [smem:$0x3F9D];
	s0 =	simm.s32 @p0 $0x1  }
0x13: {  	[smem:$0x3FB8] =	sst s0;
	s0 =	simm.s32 @!p1 $0x0  }
0x14: {  	s2 =	sld [smem:$0x3F9C];
	s0 =	simm.s32 @p1 $0x1  }
0x15: {  	[smem:$0x3FB9] =	sst s0;
	s0 =	simm.s32 @!p2 $0x0  }
0x16: {  	s3 =	sld [smem:$0x3FDB];
	s0 =	simm.s32 @p2 $0x1  }
0x17: {  	s4 =	simm.s32 $0x1BF5;
	[smem:$0x3FBB] =	sst s0  }
0x18: {  	s0 =	sld [smem:$0x3F9E];
	_ =	swait.ge [sflag:s4], $0x0  }
0x19: {  	s7 =	sld [smem:$0x3F9F]  }
0x1a: {  	s8 =	sadd.s32 $0xFFFFE003, lr  }
0x1b: {  	s9 =	sadd.s32 $0xFFFFFEF7, lr;
	s5 =	simm.s32 $0xFFFFFFFF;
	p2 =	slt.u32 s8, $0xFFFFF086  }
0x1c: {  	p1 =	slt.u32 s9, $0xF7A;
	s5 =	simm.s32 @!p2 $0x0  }
0x1d: {  	s5 =	simm.s32 @p1 $0x1;
	p0 =	seq.s32 s7, s2  }
0x1e: {  	s7 =	smul.u32 @!p0 $0xF7A, s2;
	p2 =	seq.s32 @!p0 s5, $0x0  }
0x1f: {  	s9 =	smul.u32 $0xF7A, s1;
	s8 =	simm.s32 @!p0 $0x1BF5;
	p2 =	por !p2, p0  }
0x20: {  	[sflag:s8] =	ssyncset.s32 @!p0 $0xFFFFF086;
	s6 =	sadd.s32 @!p0 s3, s7;
	s7 =	simm.s32 @!p0 $0x108  }
0x21: {  	s3 =	sadd.s32 s3, s9;
	s6 =	sadd.s32 @!p0 $0x88, s6;
	s7 =	simm.s32 @p2 $0x1082  }
0x22: {  	[simem:s7], [sflag:s8] =	dma.local @!p0 [hbm:s6], $0xF7A  }
0x23: {  	s9 =	sor.u32 $0xD0000000, s2;
	s6 =	simm.s32 $0x108;
	_ =	swait.ge @!p0 [sflag:s8], $0x0  }
0x24: {  	s3 =	sadd.s32 $0x88, s3;
	s6 =	simm.s32 @!p1 $0x1082;
	[sflag:s4] =	ssyncset.s32 $0xFFFFF086  }
0x25: {  	[simem:s6], [sflag:s4] =	dma.local [hbm:s3], $0xF7A  }
0x26: {  	[smem:$0x3F9F] =	sst s1;
	(tag) =	ssettag s2;
	_ =	strace s9  }
0x27: {  	s1 =	sld [smem:$0x3FAF]  }
0x28: {  	s2 =	sld [smem:$0x3FB0]  }
0x29: {  	s4 =	sld [smem:$0x3FB2]  }
0x2a: {  	p0 =	seq.s32 s5, $0x0;
	s5 =	sld [smem:$0x3FB3]  }
0x2b: {  	s6 =	sld [smem:$0x3FB4]  }
0x2c: {  	s7 =	sld [smem:$0x3FB5]  }
0x2d: {  	s3 =	simm.s32 $0x108;
	s8 =	sld [smem:$0x3FB6]  }
0x2e: {  	s3 =	simm.s32 @!p0 $0x1082;
	s9 =	sld [smem:$0x3FB7]  }
0x2f: {  	lr =	sadd.s32 s0, s3;
	s0 =	sld [smem:$0x3FAE]  }
0x30: {  	s3 =	sld [smem:$0x3FB1]  }
0x31: {  	[smem:$0x3FBA] =	sst s10  }
0x32: {  	s10 =	sld [smem:$0x3FB8];
	_ =	sdelay $0x3  }
0x33: {  	p0 =	seq.s32 s10, $0x1;
	s10 =	sld [smem:$0x3FBA];
	_ =	sdelay $0x3  }
0x34: {  	[smem:$0x3FBA] =	sst s10  }
0x35: {  	s10 =	sld [smem:$0x3FB9];
	_ =	sdelay $0x3  }
0x36: {  	p1 =	seq.s32 s10, $0x1;
	s10 =	sld [smem:$0x3FBA];
	_ =	sdelay $0x3  }
0x37: {  	[smem:$0x3FBA] =	sst s10  }
0x38: {  	s10 =	sld [smem:$0x3FBB]  }
0x39: {  	_ = 	snop;
	(pc) =	sbr.ind lr, $3  }
0x3a: {  	_ = 	snop  }
0x3b: {  	_ = 	snop  }
0x3c: {  	p2 =	seq.s32 s10, $0x1;
	s10 =	sld [smem:$0x3FBA]  }
0x3d: {  	_ =	shalt  }
0x3e: {  	_ =	shalt  }
0x3f: {  	_ =	shalt  }
0x40: {  	_ =	shalt  }
0x41: {  	_ =	shalt  }
0x42: {  	_ =	shalt  }
0x43: {  	_ =	shalt  }
0x44: {  	_ =	shalt  }
0x45: {  	_ =	shalt  }
0x46: {  	_ =	shalt  }
0x47: {  	_ =	shalt  }
0x48: {  	_ =	shalt  }
0x49: {  	_ =	shalt  }
0x4a: {  	_ =	shalt  }
0x4b: {  	_ =	shalt  }
0x4c: {  	_ =	shalt  }
0x4d: {  	_ =	shalt  }
0x4e: {  	_ =	shalt  }
0x4f: {  	_ =	shalt  }
0x50: {  	_ =	shalt  }
0x51: {  	_ =	shalt  }
0x52: {  	_ =	shalt  }
0x53: {  	_ =	shalt  }
0x54: {  	_ =	shalt  }
0x55: {  	_ =	shalt  }
0x56: {  	_ =	shalt  }
0x57: {  	_ =	shalt  }
0x58: {  	_ =	shalt  }
0x59: {  	_ =	shalt  }
0x5a: {  	_ =	shalt  }
0x5b: {  	_ =	shalt  }
0x5c: {  	_ =	shalt  }
0x5d: {  	_ =	shalt  }
0x5e: {  	_ =	shalt  }
0x5f: {  	_ =	shalt  }
0x60: {  	_ =	shalt  }
0x61: {  	_ =	shalt  }
0x62: {  	_ =	shalt  }
0x63: {  	_ =	shalt  }
0x64: {  	_ =	shalt  }
0x65: {  	_ =	shalt  }
0x66: {  	_ =	shalt  }
0x67: {  	_ =	shalt  }
0x68: {  	_ =	shalt  }
0x69: {  	_ =	shalt  }
0x6a: {  	_ =	shalt  }
0x6b: {  	_ =	shalt  }
0x6c: {  	_ =	shalt  }
0x6d: {  	_ =	shalt  }
0x6e: {  	_ =	shalt  }
0x6f: {  	_ =	shalt  }
0x70: {  	_ =	shalt  }
0x71: {  	_ =	shalt  }
0x72: {  	_ =	shalt  }
0x73: {  	_ =	shalt  }
0x74: {  	_ =	shalt  }
0x75: {  	_ =	shalt  }
0x76: {  	_ =	shalt  }
0x77: {  	_ =	shalt  }
0x78: {  	_ =	shalt  }
0x79: {  	_ =	shalt  }
0x7a: {  	_ =	shalt  }
0x7b: {  	_ =	shalt  }
0x7c: {  	_ =	shalt  }
0x7d: {  	_ =	shalt  }
0x7e: {  	_ =	shalt  }
0x7f: {  	_ =	shalt  }
0x80: {  	_ =	shalt  }
0x81: {  	_ =	shalt  }
0x82: {  	_ =	shalt  }
0x83: {  	_ =	shalt  }
0x84: {  	_ =	shalt  }
0x85: {  	_ =	shalt  }
0x86: {  	_ =	shalt  }
0x87: {  	_ =	shalt  }
.Lfunc_end0:
.L_simem_size_0:
called_computation.4_lowered:
.L_overlay_start_0:
0x88: {  	s2 =	sld [smem:$0x3FD9]  }
0x89: {  	s3 =	sld [smem:$0x3FFE];
	_ =	sdelay $0x1  }
0x8a: {  	s1 =	srdreg.scid  }
0x8b: {  	s0 =	sand.u32 $0x1, s1  }
0x8c: {  	s16 =	sshll.u32 s0, $0xA;
	s2 =	sadd.s32 s3, s2  }
0x8d: {  	s2 =	sadd.s32 s2, s16  }
0x8e: {  	[smem:$0x3FC6] =	sst s2  }
0x8f: {  	_ = 	snop  }
0x90: {  	s2 =	sld [smem:$0x3FD0];
	_ =	sdelay $0x2  }
0x91: {  	s5 =	simm.s32 $0xB;
	s17 =	simm.s32 $0x10  }
0x92: {  	[smem:s17], [sflag:s5] =	dma.local [hbm:s2], $0x1  }
0x93: {  	_ =	swait.eq [sflag:s5], $0x1  }
0x94: {  	s4 =	sld [smem:$0x10];
	[sflag:s5] =	ssyncset.done $0x0  }
0x95: {  	s18 =	sld [smem:$0x11];
	[sflag:s5] =	ssyncadd.s32 $0xFFFFFFFF  }
0x96: {  	s19 =	sld [smem:$0x13];
	(tm) =	ssettm $0x1  }
0x97: {  	s20 =	sld [smem:$0x3FFB];
	_ =	sdelay $0x3  }
0x98: {  	_ =	strace s20  }
0x99: {  	s2 =	sld [smem:$0x3FFC];
	_ =	sdelay $0x3  }
0x9a: {  	_ =	strace s2  }
0x9b: {  	s2 =	sld [smem:$0x3FFD];
	_ =	sdelay $0x3  }
0x9c: {  	_ =	strace s2  }
0x9d: {  	_ =	strace $0x8FFFFFFF  }
0x9e: {  	s21 =	sld [smem:$0x3FDB];
	_ =	sdelay $0x1  }
0x9f: {  	s6 =	simm.s32 $_scs_section_size  }
0xa0: {  	s7 =	simm.s32 $_size__tile_overlayer_lowered;
	s8 =	simm.s32 $_tile_overlayer_lowered  }
0xa1: {  	s9 =	simm.s32 $0x1BFF;
	s22 =	sshll.u32 s8, $0x1;
	s6 =	sadd.s32 s6, s21  }
0xa2: {  	s23 =	simm.s32 $0x0;
	s7 =	sshll.u32 s7, $0x1;
	s8 =	sadd.s32 s22, s6  }
0xa3: {  	[timem:s23], [sflag:s9] =	dma.local [hbm:s8], s7  }
0xa4: {  	_ =	swait.ge [sflag:s9], s7  }
0xa5: {  	s7 =	ssub.s32 $0x0, s7;
	[sflag:s9] =	ssyncset.done $0x0  }
0xa6: {  	[sflag:s9] =	ssyncadd.s32 s7;
	_ =	sdelay $0x1  }
0xa7: {  	s24 =	simm.s32 $0x1B8B  }
0xa8: {  	_ =	swait.ge [sflag:s24], $0x1  }
0xa9: {  	[sflag:s24] =	ssyncset.done $0x0  }
0xaa: {  	[sflag:s24] =	ssyncadd.s32 $0xFFFFFFFF  }
0xab: {  	s7 =	sld [smem:$0x0]  }
0xac: {  	s8 =	sand.u32 $0xFFFFFFFE, s1  }
0xad: {  	p0 =	sne.s32 s1, s8  }
0xae: {  	s8 =	sshll.u32 @p0 s8, $0xE  }
0xaf: {  	s8 =	sadd.s32 @p0 $0x11B8D, s8;
	s9 =	sshll.u32 @p0 s7, $0x11  }
0xb0: {  	s8 =	sor.u32 @p0 s9, s8  }
0xb1: {  	[sflag:s8] =	ssyncadd.remote.s32 @p0 $0x1;
	_ =	sdelay $0x1  }
0xb2: {  	s8 =	simm.s32 @p0 $0x1B8D  }
0xb3: {  	_ =	swait.eq @p0 [sflag:s8], $0x1  }
0xb4: {  	[sflag:s8] =	ssyncadd.s32 @p0 $0xFFFFFFFF  }
0xb5: {  	s9 =	sshll.u32 @!p0 s1, $0xE  }
0xb6: {  	s9 =	sor.u32 @!p0 $0x4000, s9;
	s8 =	simm.s32 @!p0 $0x1B8D  }
0xb7: {  	s7 =	sshll.u32 @!p0 s7, $0x11;
	s9 =	sadd.s32 @!p0 $0x11B8D, s9;
	_ =	swait.eq @!p0 [sflag:s8], $0x1  }
0xb8: {  	s7 =	sor.u32 @!p0 s7, s9;
	[sflag:s8] =	ssyncadd.s32 @!p0 $0xFFFFFFFF  }
0xb9: {  	s25 =	simm.s32 $0x1B8E;
	[sflag:s7] =	ssyncadd.remote.s32 @!p0 $0x1  }
0xba: {  	s26 =	simm.s32 $execute0_lowered;
	[smem:$0x3FD2] =	sst s25  }
0xbb: {  	s7 =	sshll.u32 s26, $0x1;
	_ =	strace $0x8000004C;
	[dreg:$0x1] =	wrdreg $0xFFFFFFFF  }
0xbc: {  	s28 =	simm.s32 $_size_execute0_lowered;
	s6 =	sadd.s32 s6, s7;
	[dreg:$0x0] =	wrdreg $0x0  }
0xbd: {  	s7 =	sshll.u32 s28, $0x1;
	[dreg:$0x2] =	wrdreg s6  }
0xbe: {  	[dreg:$0x3] =	wrdreg s7  }
0xbf: {  	[dreg:$0x4] =	wrdreg $0xC0  }
0xc0: {  	_ =	task [dreg:s23], $0x5FFFF  }
0xc1: {  	[dreg:$0x1] =	wrdreg $0xFFFFFFFF  }
0xc2: {  	[dreg:$0x0] =	wrdreg $0x60  }
0xc3: {  	[dreg:$0x2] =	wrdreg s4  }
0xc4: {  	[dreg:$0x3] =	wrdreg s19  }
0xc5: {  	[dreg:$0x4] =	wrdreg s18  }
0xc6: {  	[dreg:$0x5] =	wrdreg $0xA  }
0xc7: {  	_ =	task.clear_ibuf [dreg:s23], $0x6FFFF;
	_ =	strace $0x9000004C  }
0xc8: {  	s29 =	simm.s32 $0xA;
	_ =	strace $0x8000004E  }
0xc9: {  	_ =	swait.ge [sflag:s29], $0x1  }
0xca: {  	[sflag:s29] =	ssyncadd.s32 $0xFFFFFFFF  }
0xcb: {  	_ =	strace $0x9000004E  }
0xcc: {  	_ =	sfence  }
0xcd: {  	s30 =	sld [smem:$0x0];
	_ =	sdelay $0x2  }
0xce: {  	s31 =	sshll.u32 s1, $0xD;
	s1 =	sshrl.u32 s1, $0x2  }
0xcf: {  	s4 =	sand.u32 $0x4000, s31;
	s1 =	sadd.s32 s1, s30  }
0xd0: {  	s0 =	sor.u32 s4, s0;
	s1 =	sshll.u32 s1, $0x11  }
0xd1: {  	s0 =	sor.u32 s1, s0  }
0xd2: {  	s0 =	sadd.s32 $0x8F2B, s0  }
0xd3: {  	[sflag:s0] =	ssyncadd.remote.s32 $0x1  }
0xd4: {  	_ =	sfence.sel $0xFFFF  }
0xd5: {  	[dreg:$0x0] =	wrdreg $0xFFFFFFFF;
	(pc) =	sbr.abs _section_cstart, $3  }
0xd6: {  	[dreg:$0x1] =	wrdreg $0xFFFFFFFF  }
0xd7: {  	_ =	task.clear_ibuf [dreg:s23], $0x2FFFF;
	_ =	strace $0x9FFFFFFF  }
0xd8: {  	(tm) =	ssettm $0x7FFFFFFF  }
0xd9: {  	_ =	shalt  }
tec
execute0_lowered:
.L_overlay_start_1:
0x0: {  	(tag) =	ssettag $0x1  }
0x1: {  	s1 =	rddreg [dreg:$0x0]  }
0x2: {  	s2 =	rddreg [dreg:$0x1]  }
0x3: {  	s3 =	rddreg [dreg:$0x2]  }
0x4: {  	s4 =	srdreg.scid;
	s0 =	rddreg [dreg:$0x3];
	s5 =	simm.s32 $0x0  }
0x5: {  	s10 =	simm.s32 $0x8000;
	s11 =	simm.s32 $0x0;
	s6 =	sand.u32 $0x1, s4  }
0x6: {  	s4 =	stileid.u32;
	[smem:$0x7FF] =	sst s5;
	s7 =	ssub.s32 $0x2, s6  }
0x7: {  	s9 =	sshll.u32 s4, $0x1;
	_ =	strace $0x8000004D;
	s8 =	sshrl.u32 s7, $0x1  }
0x8: {  	s6 =	sor.u32 s6, s9;
	s9 =	simm.s32 $0x4000;
	s7 =	ssub.s32 s7, s8  }
0x9: {  	v0 =	vimm.f32 $0.0e+00;
	s6 =	smul.u32 $0x64000, s6;
	s8 =	simm.s32 $0x1;
	s7 =	smax.u32 s7, $0x1  }
.LBB2_1:
0xa: {  	s12 =	simm.s32 $0x0  }
.LBB2_2:
0xb: {  	s13 =	sshll.u32 s12, $0xE  }
0xc: {  	s13 =	sadd.s32 s6, s13  }
0xd: {  	s13 =	sshrl.u32 s13, $0x3  }
0xe: {  	s14 =	simm.s32 $0x0;
	s15 =	sadd.s32 s1, s13  }
0xf: {  	[tilespmem:s14], [sflag:$0x1] =	stream.linear.gather [hbm4b:s15+s14], $0x4000, $0x38;
	[tilespmem:$0xC000] =	vst v63  }
0x10: {  	_ =	swait.ge [sflag:s8], $0x4000  }
0x11: {  	[sflag:s8] =	ssyncset.done $0x0  }
0x12: {  	s31 =	sadd.s32 s2, s13;
	[sflag:s8] =	ssyncadd.s32 $0xFFFFC000  }
0x13: {  	[tilespmem:s9], [sflag:$0x1] =	stream.linear.gather [hbm4b:s31+s14], $0x4000, $0x38;
	[tilespmem:$0xC000] =	vst v63  }
0x14: {  	_ =	swait.ge [sflag:s8], $0x4000  }
0x15: {  	s16 =	simm.s32 $0x8020;
	[sflag:s8] =	ssyncset.done $0x0  }
0x16: {  	s17 =	simm.s32 $0x20;
	s15 =	simm.s32 $0x4020;
	[sflag:s8] =	ssyncadd.s32 $0xFFFFC000  }
.LBB2_3:
0x17: {  	[tilespmem:s16+$0xFFFFFFE0] =	vst v0  }
0x18: {  	[tilespmem:s16+$0xFFFFFFF0] =	vst v0  }
0x19: {  	[tilespmem:s16+$0x0] =	vst v0  }
0x1a: {  	[tilespmem:s16+$0x10] =	vst v0  }
0x1b: {  	v1 =	vld [tilespmem:s15+$0xFFFFFFE0];
	_ =	sdelay $0x4  }
0x1c: {  	v2 =	vld [tilespmem:s17+$0xFFFFFFE0];
	v1 =	vadd.s32 s14, v1;
	_ =	sdelay $0x4  }
0x1d: {  	[tilespmem:v1+s10+$0x0] =	vst.idx.add.f32.msk $0xffff, v2  }
0x1e: {  	v1 =	vld [tilespmem:s15+$0xFFFFFFF0];
	_ =	sdelay $0x4  }
0x1f: {  	v2 =	vld [tilespmem:s17+$0xFFFFFFF0];
	v1 =	vadd.s32 s14, v1;
	_ =	sdelay $0x4  }
0x20: {  	[tilespmem:v1+s10+$0x0] =	vst.idx.add.f32.msk $0xffff, v2  }
0x21: {  	v1 =	vld [tilespmem:s15+$0x0];
	_ =	sdelay $0x4  }
0x22: {  	v2 =	vld [tilespmem:s17+$0x0];
	v1 =	vadd.s32 s14, v1;
	_ =	sdelay $0x4  }
0x23: {  	[tilespmem:v1+s10+$0x0] =	vst.idx.add.f32.msk $0xffff, v2  }
0x24: {  	v1 =	vld [tilespmem:s15+$0x10];
	_ =	sdelay $0x4  }
0x25: {  	p0 =	sne.s32 s14, $0x3FC0;
	v2 =	vld [tilespmem:s17+$0x10];
	v1 =	vadd.s32 s14, v1  }
.Ltmp0:
0x26: {  	_ = 	snop;
	(pc) =	sbr.rel @p0 .LBB2_3-.Ltmp0, $3  }
0x27: {  	_ =	sdelay $0x1  }
0x28: {  	s16 =	sadd.s32 $0x40, s16  }
0x29: {  	s15 =	sadd.s32 $0x40, s15;
	s17 =	sadd.s32 $0x40, s17;
	s14 =	sadd.s32 $0x40, s14;
	[tilespmem:v1+s10+$0x0] =	vst.idx.add.f32.msk $0xffff, v2  }
0x2a: {  	s12 =	sadd.s32 $0x1, s12  }
0x2b: {  	p0 =	sne.s32 s12, $0x19  }
.Ltmp1:
0x2c: {  	s13 =	sadd.s32 s3, s13;
	(pc) =	sbr.rel @p0 .LBB2_2-.Ltmp1, $4  }
0x2d: {  	[hbm4b:s13+s5] =	stream.linear.scatter [tilespmem:s10], [sflag:$0x1], $0x4000, $0x38;
	[tilespmem:$0xC000] =	vst v63  }
0x2e: {  	_ =	swait.ge [sflag:s8], $0x4000  }
0x2f: {  	[sflag:s8] =	ssyncset.done $0x0  }
0x30: {  	[sflag:s8] =	ssyncadd.s32 $0xFFFFC000  }
0x31: {  	s11 =	sadd.s32 $0x1, s11  }
0x32: {  	p0 =	sne.s32 s11, s7  }
.Ltmp2:
0x33: {  	_ = 	snop;
	(pc) =	sbr.rel @p0 .LBB2_1-.Ltmp2, $1  }
0x34: {  	_ =	sdelay $0x3  }
0x35: {  	_ =	sfence.sel $0x180000  }
0x36: {  	[bflag:$0x0] =	sbarrier.arrive $0xFFFF  }
0x37: {  	p0 =	sne.s32 s4, $0x0;
	_ =	strace $0x9000004D  }
0x38: {  	s0 =	sadd.s32 @!p0 $0x100000, s0;
	[bflag:$0x2] =	sbarrier.arrive $0xFFFF  }
0x39: {  	[sflag:s0] =	ssyncadd.tile.s32 @!p0 $0x1;
	_ =	shalt  }
.Lfunc_end2:
_tile_overlayer_lowered:
.L_overlay_start_2:
0x3a: {  	(tag) =	ssettag $0x2  }
0x3b: {  	s0 =	rddreg [dreg:$0x0];
	s2 =	stileid.u32  }
0x3c: {  	s1 =	rddreg [dreg:$0x1];
	p0 =	sne.s32 s2, $0x0  }
0x3d: {  	s3 =	rddreg [dreg:$0x2];
	[bflag:$0x3] =	sbarrier.arrive $0xFFFF;
	s2 =	simm.s32 @!p0 $0x1C01  }
0x3e: {  	[timem:s3], [sflag:s2] =	dma.local @!p0 [hbm:s0], s1  }
0x3f: {  	s0 =	simm.s32 @!p0 $0x1  }
0x40: {  	_ =	swait.ge @!p0 [sflag:s0], s1  }
0x41: {  	s1 =	ssub.s32 @!p0 $0x0, s1;
	[sflag:s0] =	ssyncset.done @!p0 $0x0  }
0x42: {  	[sflag:s0] =	ssyncadd.s32 @!p0 s1  }
0x43: {  	[bflag:$0x3] =	sbarrier.arrive $0xFFFF  }
0x44: {  	_ =	shalt  }

// kernel: sparse-core-data-format-call.1.cloned.1.call-start
scs
called_computation.1_lowered:
.L_overlay_start_0:
0x0: {  	s2 =	sld [smem:$0x3FD9]  }
0x1: {  	s3 =	sld [smem:$0x3FFE];
	_ =	sdelay $0x1  }
0x2: {  	s1 =	srdreg.scid  }
0x3: {  	s0 =	sand.u32 $0x1, s1  }
0x4: {  	s18 =	sshll.u32 s0, $0xA;
	s2 =	sadd.s32 s3, s2  }
0x5: {  	s2 =	sadd.s32 s2, s18  }
0x6: {  	[smem:$0x3FC6] =	sst s2  }
0x7: {  	_ = 	snop  }
0x8: {  	s19 =	sld [smem:$0x3FC8];
	(tm) =	ssettm $0x1  }
0x9: {  	s20 =	sld [smem:$0x3FFB];
	_ =	sdelay $0x3  }
0xa: {  	_ =	strace s20  }
0xb: {  	s2 =	sld [smem:$0x3FFC];
	_ =	sdelay $0x3  }
0xc: {  	_ =	strace s2  }
0xd: {  	s2 =	sld [smem:$0x3FFD];
	_ =	sdelay $0x3  }
0xe: {  	_ =	strace s2  }
0xf: {  	_ =	strace $0x8FFFFFFF  }
0x10: {  	s21 =	sld [smem:$0x3FDB];
	_ =	sdelay $0x1  }
0x11: {  	s4 =	simm.s32 $_scs_section_size  }
0x12: {  	s5 =	simm.s32 $_size__tile_overlayer_lowered;
	s6 =	simm.s32 $_tile_overlayer_lowered  }
0x13: {  	s7 =	simm.s32 $0x1BFF;
	s22 =	sshll.u32 s6, $0x1;
	s4 =	sadd.s32 s4, s21  }
0x14: {  	s23 =	simm.s32 $0x0;
	s5 =	sshll.u32 s5, $0x1;
	s6 =	sadd.s32 s22, s4  }
0x15: {  	[timem:s23], [sflag:s7] =	dma.local [hbm:s6], s5  }
0x16: {  	_ =	swait.ge [sflag:s7], s5  }
0x17: {  	s5 =	ssub.s32 $0x0, s5;
	[sflag:s7] =	ssyncset.done $0x0  }
0x18: {  	[sflag:s7] =	ssyncadd.s32 s5;
	_ =	sdelay $0x1  }
0x19: {  	s24 =	simm.s32 $0x1B8B  }
0x1a: {  	_ =	swait.ge [sflag:s24], $0x1  }
0x1b: {  	[sflag:s24] =	ssyncset.done $0x0  }
0x1c: {  	[sflag:s24] =	ssyncadd.s32 $0xFFFFFFFF  }
0x1d: {  	s5 =	sld [smem:$0x0]  }
0x1e: {  	s6 =	sand.u32 $0xFFFFFFFE, s1  }
0x1f: {  	p0 =	sne.s32 s1, s6  }
0x20: {  	s6 =	sshll.u32 @p0 s6, $0xE  }
0x21: {  	s6 =	sadd.s32 @p0 $0x11B8D, s6;
	s7 =	sshll.u32 @p0 s5, $0x11  }
0x22: {  	s6 =	sor.u32 @p0 s7, s6  }
0x23: {  	[sflag:s6] =	ssyncadd.remote.s32 @p0 $0x1;
	_ =	sdelay $0x1  }
0x24: {  	s6 =	simm.s32 @p0 $0x1B8D  }
0x25: {  	_ =	swait.eq @p0 [sflag:s6], $0x1  }
0x26: {  	[sflag:s6] =	ssyncadd.s32 @p0 $0xFFFFFFFF  }
0x27: {  	s7 =	sshll.u32 @!p0 s1, $0xE  }
0x28: {  	s7 =	sor.u32 @!p0 $0x4000, s7;
	s6 =	simm.s32 @!p0 $0x1B8D  }
0x29: {  	s5 =	sshll.u32 @!p0 s5, $0x11;
	s7 =	sadd.s32 @!p0 $0x11B8D, s7;
	_ =	swait.eq @!p0 [sflag:s6], $0x1  }
0x2a: {  	s5 =	sor.u32 @!p0 s5, s7;
	[sflag:s6] =	ssyncadd.s32 @!p0 $0xFFFFFFFF  }
0x2b: {  	s26 =	simm.s32 $0x1B8E;
	s25 =	sld [smem:$0x3FFE];
	[sflag:s5] =	ssyncadd.remote.s32 @!p0 $0x1  }
0x2c: {  	s27 =	simm.s32 $execute0_lowered;
	[smem:$0x3FD2] =	sst s26  }
0x2d: {  	s6 =	sshll.u32 s27, $0x1;
	_ =	strace $0x80000049;
	[dreg:$0x1] =	wrdreg $0xFFFFFFFF  }
0x2e: {  	s28 =	simm.s32 $_size_execute0_lowered;
	s4 =	sadd.s32 s4, s6;
	[dreg:$0x0] =	wrdreg $0x0  }
0x2f: {  	s6 =	sshll.u32 s28, $0x1;
	[dreg:$0x2] =	wrdreg s4  }
0x30: {  	[dreg:$0x3] =	wrdreg s6  }
0x31: {  	[dreg:$0x4] =	wrdreg $0xC0  }
0x32: {  	_ =	task [dreg:s23], $0x5FFFF  }
0x33: {  	[dreg:$0x1] =	wrdreg $0xFFFFFFFF  }
0x34: {  	[dreg:$0x0] =	wrdreg $0x60  }
0x35: {  	[dreg:$0x2] =	wrdreg s19  }
0x36: {  	[dreg:$0x3] =	wrdreg s25  }
0x37: {  	[dreg:$0x4] =	wrdreg $0x9  }
0x38: {  	_ =	task.clear_ibuf [dreg:s23], $0x5FFFF;
	_ =	strace $0x90000049  }
0x39: {  	s29 =	simm.s32 $0x9;
	_ =	strace $0x8000004B  }
0x3a: {  	_ =	swait.ge [sflag:s29], $0x1  }
0x3b: {  	[sflag:s29] =	ssyncadd.s32 $0xFFFFFFFF  }
0x3c: {  	_ =	strace $0x9000004B  }
0x3d: {  	_ =	sfence  }
0x3e: {  	s30 =	sld [smem:$0x0];
	_ =	sdelay $0x2  }
0x3f: {  	s31 =	sshll.u32 s1, $0xD;
	s1 =	sshrl.u32 s1, $0x2  }
0x40: {  	s4 =	sand.u32 $0x4000, s31;
	s1 =	sadd.s32 s1, s30  }
0x41: {  	s0 =	sor.u32 s4, s0;
	s1 =	sshll.u32 s1, $0x11  }
0x42: {  	s0 =	sor.u32 s1, s0  }
0x43: {  	s0 =	sadd.s32 $0x8F2B, s0  }
0x44: {  	[sflag:s0] =	ssyncadd.remote.s32 $0x1  }
0x45: {  	_ =	sfence.sel $0xFFFF  }
0x46: {  	[dreg:$0x0] =	wrdreg $0xFFFFFFFF;
	(pc) =	sbr.abs _section_cstart, $3  }
0x47: {  	[dreg:$0x1] =	wrdreg $0xFFFFFFFF  }
0x48: {  	_ =	task.clear_ibuf [dreg:s23], $0x2FFFF;
	_ =	strace $0x9FFFFFFF  }
0x49: {  	(tm) =	ssettm $0x7FFFFFFF  }
tec
execute0_lowered:
.L_overlay_start_1:
0x0: {  	(tag) =	ssettag $0x1  }
0x1: {  	s0 =	stileid.u32;
	s7 =	rddreg [dreg:$0x0]  }
0x2: {  	s1 =	srdreg.scid;
	s6 =	rddreg [dreg:$0x1];
	s31 =	simm.s32 $0x2  }
0x3: {  	s13 =	simm.s32 $0x0;
	s2 =	sshll.u32 s0, $0x7;
	s1 =	sshll.u32 s1, $0xB  }
0x4: {  	s10 =	simm.s32 $0x1C00;
	s1 =	sor.u32 s2, s1;
	s2 =	sand.u32 $0x1, s0  }
0x5: {  	s14 =	simm.s32 $0x0;
	s1 =	sand.u32 $0xF00, s1;
	s4 =	ssub.s32 $0x32, s2  }
0x6: {  	s12 =	simm.s32 $0x0;
	s3 =	ssub.s32 $0x1000, s1;
	s8 =	sshrl.u32 s4, $0x1  }
0x7: {  	s4 =	sand.u32 $0x1, s4;
	s5 =	sand.u32 $0xF00, s3;
	s9 =	sshrl.u32 s3, $0xC  }
0x8: {  	s3 =	rddreg [dreg:$0x2];
	p0 =	sne.s32 s5, $0x0;
	s5 =	simm.s32 $0x1  }
.Ltmp0:
0x9: {  	s8 =	sadd.s32 s4, s8;
	s5 =	simm.s32 @!p0 $0x0;
	(pc) =	sbr.rel .LBB1_1-.Ltmp0, $4  }
0xa: {  	_ =	strace $0x8000004A;
	s4 =	simm.s32 $0x1;
	s5 =	sadd.s32 s5, s9  }
0xb: {  	s6 =	sadd.s32 $0x322200, s6;
	[sflag:s4] =	ssyncpa.u1 $0x0;
	s5 =	smul.u32 s8, s5  }
0xc: {  	s11 =	smov.u32 s2;
	s7 =	sadd.s32 s7, s1;
	[sflag:s31] =	ssyncpa.u1 $0x0  }
0xd: {  	p0 =	por $0x0, $0x0;
	s9 =	simm.s32 $0x40;
	s8 =	sadd.s32 $0x1, s5  }
.LBB1_4:
0xe: {  	_ = 	snop  }
0xf: {  	[tilespmem:s19+$0x1860 ss:$0x41] =	vst.msk $0xffff, v8  }
0x10: {  	[tilespmem:s19+$0x1C70 ss:$0x41] =	vst.msk $0xffff, v7  }
0x11: {  	[tilespmem:s19+$0x2490 ss:$0x41] =	vst.msk $0xffff, v1  }
0x12: {  	s22 =	sor.u32 s25, s24;
	v47 =	vld.idx.msk [tilespmem:v0+s17+$0x470 ss:$0x1], $0xffff;
	[tilespmem:s19+$0x28A0 ss:$0x41] =	vst.msk $0xffff, v2  }
0x13: {  	[tilespmem:s19+$0x2CB0 ss:$0x41] =	vst.msk $0xffff, v3;
	v57 =	vld.idx.msk [tilespmem:v0+s22+$0x410 ss:$0x1], $0xffff  }
0x14: {  	[tilespmem:s19+$0x30C0 ss:$0x41] =	vst.msk $0xffff, v4;
	v58 =	vld.idx.msk [tilespmem:v0+s22+$0x420 ss:$0x1], $0xffff  }
0x15: {  	[tilespmem:s19+$0x34D0 ss:$0x41] =	vst.msk $0xffff, v5;
	v59 =	vld.idx.msk [tilespmem:v0+s22+$0x430 ss:$0x1], $0xffff  }
0x16: {  	s30 =	sshra.s32 s20, $0x2;
	[tilespmem:s19+$0x38E0 ss:$0x41] =	vst.msk $0xffff, v6;
	v60 =	vld.idx.msk [tilespmem:v0+s22+$0x440 ss:$0x1], $0xffff  }
0x17: {  	s23 =	sand.u32 $0x3B00, s22;
	s17 =	sadd.s32 s30, s18;
	v61 =	vld.idx.msk [tilespmem:v0+s22+$0x450 ss:$0x1], $0xffff;
	[tilespmem:s19+$0x3CF0 ss:$0x41] =	vst.msk $0xffff, v47  }
0x18: {  	s21 =	sand.u32 $0x80, s21;
	v62 =	vld.idx.msk [tilespmem:v0+s22+$0x460 ss:$0x1], $0xffff;
	s16 =	sadd.s32 s23, s16;
	[tilespmem:s17+$0x2490 ss:$0x41] =	vst.msk $0xffff, v57  }
0x19: {  	v63 =	vld.idx.msk [tilespmem:v0+s22+$0x470 ss:$0x1], $0xffff;
	s16 =	sadd.s32 s21, s16;
	[tilespmem:s17+$0x28A0 ss:$0x41] =	vst.msk $0xffff, v58  }
0x1a: {  	v48 =	vld [tilespmem:s16+$0x400];
	[tilespmem:s17+$0x2CB0 ss:$0x41] =	vst.msk $0xffff, v59  }
0x1b: {  	v49 =	vld [tilespmem:s16+$0x0];
	[tilespmem:s17+$0x30C0 ss:$0x41] =	vst.msk $0xffff, v60  }
0x1c: {  	v50 =	vld [tilespmem:s16+$0x10];
	[tilespmem:s17+$0x34D0 ss:$0x41] =	vst.msk $0xffff, v61  }
0x1d: {  	v51 =	vld [tilespmem:s16+$0x20];
	[tilespmem:s17+$0x38E0 ss:$0x41] =	vst.msk $0xffff, v62  }
0x1e: {  	v52 =	vld [tilespmem:s16+$0x30];
	[tilespmem:s17+$0x3CF0 ss:$0x41] =	vst.msk $0xffff, v63  }
0x1f: {  	v53 =	vld [tilespmem:s16+$0x40];
	[tilespmem:s17+$0x2080 ss:$0x41] =	vst.msk $0xffff, v48  }
0x20: {  	s14 =	sand.u32 $0x1FFFFFF, s14;
	v54 =	vld [tilespmem:s16+$0x50];
	[tilespmem:s17+$0x0 ss:$0x41] =	vst.msk $0xffff, v49  }
0x21: {  	s31 =	smulhi.u32 $0x4924925, s14;
	v55 =	vld [tilespmem:s16+$0x60];
	[tilespmem:s17+$0x410 ss:$0x41] =	vst.msk $0xffff, v50  }
0x22: {  	v56 =	vld [tilespmem:s16+$0x70];
	[tilespmem:s17+$0x820 ss:$0x41] =	vst.msk $0xffff, v51  }
0x23: {  	s16 =	smul.u32 $0x38, s31;
	[tilespmem:s17+$0xC30 ss:$0x41] =	vst.msk $0xffff, v52  }
0x24: {  	s13 =	smul.u32 $0x380, s13;
	[tilespmem:s17+$0x1040 ss:$0x41] =	vst.msk $0xffff, v53  }
0x25: {  	s14 =	ssub.s32 s14, s16;
	[tilespmem:s17+$0x1450 ss:$0x41] =	vst.msk $0xffff, v54  }
0x26: {  	s13 =	sadd.s32 s6, s13;
	s14 =	sshll.u32 s14, $0x4;
	[tilespmem:s17+$0x1860 ss:$0x41] =	vst.msk $0xffff, v55  }
0x27: {  	s13 =	sadd.s32 s14, s13;
	[tilespmem:s17+$0x1C70 ss:$0x41] =	vst.msk $0xffff, v56  }
0x28: {  	[hbm4b:s13+s9] =	stream.strided.scatter [tilespmem:s15], [sflag:$0x2], $0x4000, s10, s9, $0x18;
	[tilespmem:$0x10200] =	vst v63  }
.LBB1_5:
0x29: {  	s15 =	sadd.s32 $0x2, s11  }
0x2a: {  	p2 =	sgt.s32 s15, $0x31  }
0x2b: {  	s15 =	smov.u32 @p2 s2;
	p2 =	sne.s32 s12, s8  }
.Ltmp1:
0x2c: {  	p1 =	slt.u32 s12, $0x2;
	(pc) =	sbr.rel @!p2 .LBB1_6-.Ltmp1, $4  }
0x2d: {  	s13 =	simm.s32 @!p1 $0x2  }
0x2e: {  	s16 =	sadd.s32 $0x1, s12;
	s14 =	smov.u32 s11;
	_ =	swait.ge @!p1 [sflag:s13], $0x4000  }
0x2f: {  	p0 =	por !p0, !p0;
	s12 =	smov.u32 s16;
	[sflag:s13] =	ssyncset.done @!p1 $0x0  }
0x30: {  	s11 =	smov.u32 s15;
	[sflag:s13] =	ssyncadd.s32 @!p1 $0xFFFFC000;
	s13 =	smov.u32 s1  }
.LBB1_1:
0x31: {  	p1 =	sge.u32 s12, s5  }
0x32: {  	s31 =	sadd.s32 $0xFFFFFFFF, s12;
	s15 =	sxor.u32 @!p1 $0xFFFFFFFF, s12  }
0x33: {  	s16 =	sshll.u32 @!p1 s11, $0xF;
	s17 =	simm.s32 @!p1 $0x800;
	s15 =	sshll.u32 @!p1 s15, $0xE  }
0x34: {  	s18 =	simm.s32 @!p1 $0x8000;
	s16 =	sadd.s32 @!p1 s16, s7;
	s15 =	sand.u32 @!p1 $0x4000, s15  }
0x35: {  	[tilespmem:s15], [sflag:$0x1] =	stream.strided.gather @!p1 [hbm4b:s16+s17], $0x4000, s18, s17, $0x38;
	[tilespmem:$0x10200] =	vst v63  }
0x36: {  	p1 =	sge.u32 s31, s5  }
.Ltmp2:
0x37: {  	_ = 	snop;
	(pc) =	sbr.rel @p1 .LBB1_5-.Ltmp2, $1  }
0x38: {  	_ =	sdelay $0x3  }
0x39: {  	s18 =	simm.s32 $0x0  }
0x3a: {  	s17 =	sand.u32 $0x3800, s18;
	s19 =	sand.u32 $0x380, s18  }
0x3b: {  	s15 =	sand.u32 $0x1, s12;
	s17 =	sor.u32 s19, s17  }
0x3c: {  	_ =	swait.ge [sflag:s4], $0x4000;
	s16 =	sshll.u32 s15, $0xE;
	s19 =	sand.u32 $0x3B00, s17  }
0x3d: {  	[sflag:s4] =	ssyncset.done $0x0;
	s18 =	sand.u32 $0x80, s18;
	s19 =	sadd.s32 s19, s16  }
0x3e: {  	[sflag:s4] =	ssyncadd.s32 $0xFFFFC000;
	s21 =	sadd.s32 s18, s19  }
0x3f: {  	v4 =	vld [tilespmem:s21+$0x400]  }
0x40: {  	s20 =	simm.s32 $0x1;
	v5 =	vld [tilespmem:s21+$0x0]  }
0x41: {  	s20 =	simm.s32 @!p0 $0x0;
	v6 =	vld [tilespmem:s21+$0x10]  }
0x42: {  	v0 =	vmov s16;
	s31 =	smul.u32 $0x10400, s20;
	v7 =	vld [tilespmem:s21+$0x20]  }
0x43: {  	v9 =	vld [tilespmem:s21+$0x30]  }
0x44: {  	s18 =	sshrl.u32 s31, $0x2;
	v10 =	vld [tilespmem:s21+$0x40]  }
0x45: {  	s18 =	sor.u32 $0x8000, s18;
	v11 =	vld [tilespmem:s21+$0x50]  }
0x46: {  	v8 =	vld [tilespmem:s21+$0x60];
	s19 =	sadd.s32 $0x0, s18  }
0x47: {  	v1 =	vld.idx.msk [tilespmem:v0+s17+$0x410 ss:$0x1], $0xffff;
	[tilespmem:s19+$0x2080 ss:$0x41] =	vst.msk $0xffff, v4  }
0x48: {  	v2 =	vld.idx.msk [tilespmem:v0+s17+$0x420 ss:$0x1], $0xffff;
	[tilespmem:s19+$0x0 ss:$0x41] =	vst.msk $0xffff, v5  }
0x49: {  	v3 =	vld.idx.msk [tilespmem:v0+s17+$0x430 ss:$0x1], $0xffff;
	[tilespmem:s19+$0x410 ss:$0x41] =	vst.msk $0xffff, v6  }
0x4a: {  	s15 =	smul.u32 $0x10400, s15;
	[tilespmem:s19+$0x820 ss:$0x41] =	vst.msk $0xffff, v7;
	v7 =	vld [tilespmem:s21+$0x70]  }
0x4b: {  	s22 =	simm.s32 $0x100;
	s23 =	simm.s32 $0x8;
	[tilespmem:s19+$0xC30 ss:$0x41] =	vst.msk $0xffff, v9;
	v4 =	vld.idx.msk [tilespmem:v0+s17+$0x440 ss:$0x1], $0xffff  }
0x4c: {  	s24 =	sand.u32 $0x3800, s22;
	s15 =	sshrl.u32 s15, $0x2;
	[tilespmem:s19+$0x1040 ss:$0x41] =	vst.msk $0xffff, v10;
	v5 =	vld.idx.msk [tilespmem:v0+s17+$0x450 ss:$0x1], $0xffff;
	s21 =	simm.s32 $0x80  }
0x4d: {  	s20 =	simm.s32 $0x4;
	s15 =	sor.u32 $0x8000, s15;
	[tilespmem:s19+$0x1450 ss:$0x41] =	vst.msk $0xffff, v11;
	v6 =	vld.idx.msk [tilespmem:v0+s17+$0x460 ss:$0x1], $0xffff;
	s25 =	sand.u32 $0x380, s21  }
.LBB1_3:
0x4e: {  	p1 =	sne.s32 s23, $0xFC;
	[tilespmem:s19+$0x1860 ss:$0x41] =	vst.msk $0xffff, v8;
	v8 =	vld.idx.msk [tilespmem:v0+s17+$0x470 ss:$0x1], $0xffff;
	s17 =	sor.u32 s25, s24  }
0x4f: {  	s24 =	sand.u32 $0x3B00, s17;
	v9 =	vld.idx.msk [tilespmem:v0+s17+$0x410 ss:$0x1], $0xffff;
	[tilespmem:s19+$0x1C70 ss:$0x41] =	vst.msk $0xffff, v7  }
0x50: {  	s25 =	sand.u32 $0x80, s21;
	s24 =	sadd.s32 s24, s16;
	v7 =	vld.idx.msk [tilespmem:v0+s17+$0x420 ss:$0x1], $0xffff;
	[tilespmem:s19+$0x2490 ss:$0x41] =	vst.msk $0xffff, v1  }
0x51: {  	s24 =	sadd.s32 s25, s24;
	v10 =	vld.idx.msk [tilespmem:v0+s17+$0x430 ss:$0x1], $0xffff;
	[tilespmem:s19+$0x28A0 ss:$0x41] =	vst.msk $0xffff, v2  }
0x52: {  	v11 =	vld [tilespmem:s24+$0x400];
	[tilespmem:s19+$0x2CB0 ss:$0x41] =	vst.msk $0xffff, v3  }
0x53: {  	v12 =	vld [tilespmem:s24+$0x0];
	[tilespmem:s19+$0x30C0 ss:$0x41] =	vst.msk $0xffff, v4  }
0x54: {  	v4 =	vld [tilespmem:s24+$0x10];
	[tilespmem:s19+$0x34D0 ss:$0x41] =	vst.msk $0xffff, v5  }
0x55: {  	s25 =	sshra.s32 s20, $0x2;
	s20 =	smov.u32 s23;
	v1 =	vmov v9;
	v5 =	vld [tilespmem:s24+$0x20];
	[tilespmem:s19+$0x38E0 ss:$0x41] =	vst.msk $0xffff, v6  }
0x56: {  	v2 =	vmov v7;
	v6 =	vld [tilespmem:s24+$0x30];
	[tilespmem:s19+$0x3CF0 ss:$0x41] =	vst.msk $0xffff, v8;
	s19 =	sadd.s32 s25, s18  }
0x57: {  	v3 =	vmov v10;
	v9 =	vld [tilespmem:s24+$0x40];
	[tilespmem:s19+$0x2080 ss:$0x41] =	vst.msk $0xffff, v11  }
0x58: {  	[tilespmem:s19+$0x0 ss:$0x41] =	vst.msk $0xffff, v12;
	v10 =	vld [tilespmem:s24+$0x50]  }
.Ltmp3:
0x59: {  	[tilespmem:s19+$0x410 ss:$0x41] =	vst.msk $0xffff, v4;
	v8 =	vld [tilespmem:s24+$0x60];
	(pc) =	sbr.rel @p1 .LBB1_3-.Ltmp3, $4  }
0x5a: {  	[tilespmem:s19+$0x820 ss:$0x41] =	vst.msk $0xffff, v5;
	v7 =	vld [tilespmem:s24+$0x70]  }
0x5b: {  	[tilespmem:s19+$0xC30 ss:$0x41] =	vst.msk $0xffff, v6;
	v4 =	vld.idx.msk [tilespmem:v0+s17+$0x440 ss:$0x1], $0xffff  }
0x5c: {  	s21 =	sadd.s32 $0x80, s21;
	s22 =	sadd.s32 $0x100, s22;
	[tilespmem:s19+$0x1040 ss:$0x41] =	vst.msk $0xffff, v9;
	v5 =	vld.idx.msk [tilespmem:v0+s17+$0x450 ss:$0x1], $0xffff  }
0x5d: {  	s23 =	sadd.s32 $0x4, s23;
	s25 =	sand.u32 $0x380, s21;
	s24 =	sand.u32 $0x3800, s22;
	[tilespmem:s19+$0x1450 ss:$0x41] =	vst.msk $0xffff, v10;
	v6 =	vld.idx.msk [tilespmem:v0+s17+$0x460 ss:$0x1], $0xffff  }
.Ltmp4:
0x5e: {  	_ = 	snop;
	(pc) =	sbr.rel .LBB1_4-.Ltmp4, $1  }
0x5f: {  	_ =	sdelay $0x3  }
.LBB1_6:
0x60: {  	_ =	sfence.sel $0x180000  }
0x61: {  	s1 =	simm.s32 $0x1;
	[bflag:$0x0] =	sbarrier.arrive $0xFFFF  }
0x62: {  	s31 =	simm.s32 $0x2;
	[sflag:s1] =	ssyncpa.u1 $0x1  }
0x63: {  	[sflag:s31] =	ssyncpa.u1 $0x1  }
0x64: {  	p0 =	sne.s32 s0, $0x0;
	_ =	strace $0x9000004A  }
0x65: {  	s0 =	sadd.s32 @!p0 $0x100000, s3;
	[bflag:$0x2] =	sbarrier.arrive $0xFFFF  }
0x66: {  	[sflag:s0] =	ssyncadd.tile.s32 @!p0 $0x1;
	_ =	shalt  }
.Lfunc_end1:
_tile_overlayer_lowered:
.L_overlay_start_2:
0x67: {  	(tag) =	ssettag $0x2  }
0x68: {  	s0 =	rddreg [dreg:$0x0];
	s2 =	stileid.u32  }
0x69: {  	s1 =	rddreg [dreg:$0x1];
	p0 =	sne.s32 s2, $0x0  }
0x6a: {  	s3 =	rddreg [dreg:$0x2];
	[bflag:$0x3] =	sbarrier.arrive $0xFFFF;
	s2 =	simm.s32 @!p0 $0x1C01  }
0x6b: {  	[timem:s3], [sflag:s2] =	dma.local @!p0 [hbm:s0], s1  }
0x6c: {  	s0 =	simm.s32 @!p0 $0x1  }
0x6d: {  	_ =	swait.ge @!p0 [sflag:s0], s1  }
0x6e: {  	s1 =	ssub.s32 @!p0 $0x0, s1;
	[sflag:s0] =	ssyncset.done @!p0 $0x0  }
0x6f: {  	[sflag:s0] =	ssyncadd.s32 @!p0 s1  }
0x70: {  	[bflag:$0x3] =	sbarrier.arrive $0xFFFF  }
0x71: {  	_ =	shalt  }

// kernel: sparse-core-data-format-call.2.cloned.1.call-start
scs
called_computation.2_lowered:
.L_overlay_start_0:
0x0: {  	s2 =	sld [smem:$0x3FD9]  }
0x1: {  	s3 =	sld [smem:$0x3FFE];
	_ =	sdelay $0x1  }
0x2: {  	s1 =	srdreg.scid  }
0x3: {  	s0 =	sand.u32 $0x1, s1  }
0x4: {  	s16 =	sshll.u32 s0, $0xA;
	s2 =	sadd.s32 s3, s2  }
0x5: {  	s2 =	sadd.s32 s2, s16  }
0x6: {  	[smem:$0x3FC6] =	sst s2  }
0x7: {  	_ = 	snop  }
0x8: {  	s2 =	sld [smem:$0x3FD0];
	_ =	sdelay $0x2  }
0x9: {  	s17 =	simm.s32 $0xB;
	s4 =	simm.s32 $0x10  }
0xa: {  	[smem:s4], [sflag:s17] =	dma.local [hbm:s2], $0x1  }
0xb: {  	_ =	swait.eq [sflag:s17], $0x1  }
0xc: {  	[sflag:s17] =	ssyncset.done $0x0  }
0xd: {  	[sflag:s17] =	ssyncadd.s32 $0xFFFFFFFF  }
0xe: {  	s18 =	sld [smem:$0x10];
	(tm) =	ssettm $0x1  }
0xf: {  	s19 =	sld [smem:$0x3FFB];
	_ =	sdelay $0x3  }
0x10: {  	_ =	strace s19  }
0x11: {  	s2 =	sld [smem:$0x3FFC];
	_ =	sdelay $0x3  }
0x12: {  	_ =	strace s2  }
0x13: {  	s2 =	sld [smem:$0x3FFD];
	_ =	sdelay $0x3  }
0x14: {  	_ =	strace s2  }
0x15: {  	_ =	strace $0x8FFFFFFF  }
0x16: {  	s20 =	sld [smem:$0x3FDB];
	_ =	sdelay $0x1  }
0x17: {  	s21 =	simm.s32 $_scs_section_size  }
0x18: {  	s5 =	simm.s32 $_size__tile_overlayer_lowered;
	s6 =	simm.s32 $_tile_overlayer_lowered  }
0x19: {  	s7 =	simm.s32 $0x1BFF;
	s22 =	sshll.u32 s6, $0x1;
	s4 =	sadd.s32 s21, s20  }
0x1a: {  	s23 =	simm.s32 $0x0;
	s5 =	sshll.u32 s5, $0x1;
	s6 =	sadd.s32 s22, s4  }
0x1b: {  	[timem:s23], [sflag:s7] =	dma.local [hbm:s6], s5  }
0x1c: {  	_ =	swait.ge [sflag:s7], s5  }
0x1d: {  	s5 =	ssub.s32 $0x0, s5;
	[sflag:s7] =	ssyncset.done $0x0  }
0x1e: {  	[sflag:s7] =	ssyncadd.s32 s5;
	_ =	sdelay $0x1  }
0x1f: {  	s24 =	simm.s32 $0x1B8B  }
0x20: {  	_ =	swait.ge [sflag:s24], $0x1  }
0x21: {  	[sflag:s24] =	ssyncset.done $0x0  }
0x22: {  	[sflag:s24] =	ssyncadd.s32 $0xFFFFFFFF  }
0x23: {  	s5 =	sld [smem:$0x0]  }
0x24: {  	s6 =	sand.u32 $0xFFFFFFFE, s1  }
0x25: {  	p0 =	sne.s32 s1, s6  }
0x26: {  	s6 =	sshll.u32 @p0 s6, $0xE  }
0x27: {  	s6 =	sadd.s32 @p0 $0x11B8D, s6;
	s7 =	sshll.u32 @p0 s5, $0x11  }
0x28: {  	s6 =	sor.u32 @p0 s7, s6  }
0x29: {  	[sflag:s6] =	ssyncadd.remote.s32 @p0 $0x1;
	_ =	sdelay $0x1  }
0x2a: {  	s6 =	simm.s32 @p0 $0x1B8D  }
0x2b: {  	_ =	swait.eq @p0 [sflag:s6], $0x1  }
0x2c: {  	[sflag:s6] =	ssyncadd.s32 @p0 $0xFFFFFFFF  }
0x2d: {  	s7 =	sshll.u32 @!p0 s1, $0xE  }
0x2e: {  	s7 =	sor.u32 @!p0 $0x4000, s7;
	s6 =	simm.s32 @!p0 $0x1B8D  }
0x2f: {  	s5 =	sshll.u32 @!p0 s5, $0x11;
	s7 =	sadd.s32 @!p0 $0x11B8D, s7;
	_ =	swait.eq @!p0 [sflag:s6], $0x1  }
0x30: {  	s5 =	sor.u32 @!p0 s5, s7;
	[sflag:s6] =	ssyncadd.s32 @!p0 $0xFFFFFFFF  }
0x31: {  	s26 =	simm.s32 $0x1B8E;
	s25 =	sld [smem:$0x3FFE];
	[sflag:s5] =	ssyncadd.remote.s32 @!p0 $0x1  }
0x32: {  	s27 =	simm.s32 $execute0_lowered;
	[smem:$0x3FD2] =	sst s26  }
0x33: {  	s6 =	sshll.u32 s27, $0x1;
	_ =	strace $0x80000052;
	[dreg:$0x1] =	wrdreg $0xFFFFFFFF  }
0x34: {  	s28 =	simm.s32 $_size_execute0_lowered;
	s4 =	sadd.s32 s4, s6;
	[dreg:$0x0] =	wrdreg $0x0  }
0x35: {  	s6 =	sshll.u32 s28, $0x1;
	[dreg:$0x2] =	wrdreg s4  }
0x36: {  	[dreg:$0x3] =	wrdreg s6  }
0x37: {  	[dreg:$0x4] =	wrdreg $0xC0  }
0x38: {  	_ =	task [dreg:s23], $0x5FFFF  }
0x39: {  	[dreg:$0x1] =	wrdreg $0xFFFFFFFF  }
0x3a: {  	[dreg:$0x0] =	wrdreg $0x60  }
0x3b: {  	[dreg:$0x2] =	wrdreg s25  }
0x3c: {  	[dreg:$0x3] =	wrdreg s18  }
0x3d: {  	[dreg:$0x4] =	wrdreg $0xA  }
0x3e: {  	_ =	task.clear_ibuf [dreg:s23], $0x5FFFF;
	_ =	strace $0x90000052  }
0x3f: {  	s29 =	simm.s32 $0xA;
	_ =	strace $0x80000054  }
0x40: {  	_ =	swait.ge [sflag:s29], $0x1  }
0x41: {  	[sflag:s29] =	ssyncadd.s32 $0xFFFFFFFF  }
0x42: {  	_ =	strace $0x90000054  }
0x43: {  	_ =	sfence  }
0x44: {  	s30 =	sld [smem:$0x0];
	_ =	sdelay $0x2  }
0x45: {  	s31 =	sshll.u32 s1, $0xD;
	s1 =	sshrl.u32 s1, $0x2  }
0x46: {  	s4 =	sand.u32 $0x4000, s31;
	s1 =	sadd.s32 s1, s30  }
0x47: {  	s0 =	sor.u32 s4, s0;
	s1 =	sshll.u32 s1, $0x11  }
0x48: {  	s0 =	sor.u32 s1, s0  }
0x49: {  	s0 =	sadd.s32 $0x8F2B, s0  }
0x4a: {  	[sflag:s0] =	ssyncadd.remote.s32 $0x1  }
0x4b: {  	_ =	sfence.sel $0xFFFF  }
0x4c: {  	[dreg:$0x0] =	wrdreg $0xFFFFFFFF;
	(pc) =	sbr.abs _section_cstart, $3  }
0x4d: {  	[dreg:$0x1] =	wrdreg $0xFFFFFFFF  }
0x4e: {  	_ =	task.clear_ibuf [dreg:s23], $0x2FFFF;
	_ =	strace $0x9FFFFFFF  }
0x4f: {  	(tm) =	ssettm $0x7FFFFFFF  }
tec
execute0_lowered:
.L_overlay_start_1:
0x0: {  	(tag) =	ssettag $0x1  }
0x1: {  	s0 =	srdreg.scid  }
0x2: {  	s1 =	sshll.u32 s0, $0x4  }
0x3: {  	s0 =	stileid.u32;
	s1 =	sand.u32 $0x10, s1  }
0x4: {  	s1 =	sor.u32 s0, s1  }
0x5: {  	s6 =	rddreg [dreg:$0x0];
	s4 =	simm.s32 $0x1;
	s2 =	sshll.u32 s1, $0x7  }
0x6: {  	s7 =	simm.s32 $0x2;
	s12 =	simm.s32 $0x0;
	s1 =	ssub.s32 $0x1000, s2  }
0x7: {  	s8 =	simm.s32 $0x8000;
	s13 =	simm.s32 $0x0;
	s3 =	sand.u32 $0xF80, s1  }
0x8: {  	s9 =	simm.s32 $0x0;
	s5 =	sshrl.u32 s1, $0xC;
	p0 =	sne.s32 s3, $0x0  }
.Ltmp0:
0x9: {  	s1 =	rddreg [dreg:$0x2];
	s4 =	simm.s32 @!p0 $0x0;
	(pc) =	sbr.rel .LBB1_1-.Ltmp0, $4  }
0xa: {  	s11 =	simm.s32 $0x0;
	s3 =	rddreg [dreg:$0x1];
	s5 =	sadd.s32 s4, s5  }
0xb: {  	_ =	strace $0x80000053;
	s4 =	simm.s32 $0x1;
	s5 =	smul.u32 $0x32, s5  }
0xc: {  	s6 =	sadd.s32 $0x2200, s6;
	s10 =	smov.u32 s2;
	[sflag:s4] =	ssyncpa.u1 $0x0  }
0xd: {  	p0 =	por $0x0, $0x0;
	[sflag:s7] =	ssyncpa.u1 $0x0;
	s7 =	sor.u32 $0x1, s5  }
.LBB1_4:
0xe: {  	s16 =	sshll.u32 s13, $0x3;
	s17 =	sand.u32 $0x78, s13  }
0xf: {  	s30 =	sand.u32 $0x7E00, s13;
	s12 =	sshll.u32 s12, $0xF;
	s16 =	sand.u32 $0xC00, s16  }
0x10: {  	[tilespmem:s15+$0x810 ss:$0x81] =	vst.msk $0xffff, v2;
	s31 =	sand.u32 $0x7, s13;
	s16 =	sor.u32 s17, s16;
	s17 =	sadd.s32 s3, s30  }
0x11: {  	[tilespmem:s15+$0x1020 ss:$0x81] =	vst.msk $0xffff, v0;
	s13 =	sshll.u32 s31, $0x12;
	s12 =	sadd.s32 s12, s17;
	s16 =	sshrl.u32 s16, $0x3  }
0x12: {  	[tilespmem:s15+$0x0 ss:$0x81] =	vst.msk $0xffff, v1;
	s13 =	sor.u32 $0x400, s13;
	s12 =	sadd.s32 s16, s12  }
0x13: {  	[hbm4b:s12+s13] =	stream.strided.scatter [tilespmem:s14], [sflag:$0x2], $0x2000, s8, s13, $0x20;
	[tilespmem:$0x8080] =	vst v63  }
.LBB1_5:
0x14: {  	s14 =	sadd.s32 $0x1, s9  }
0x15: {  	s12 =	sadd.s32 $0x1000, s10;
	s16 =	smov.u32 s10;
	p2 =	sgt.s32 s14, $0x31  }
0x16: {  	s16 =	smov.u32 @p2 s12  }
0x17: {  	s14 =	simm.s32 @p2 $0x0;
	p2 =	sgt.s32 s16, $0xFFF  }
0x18: {  	s16 =	smov.u32 @p2 s2;
	p2 =	sne.s32 s11, s7  }
.Ltmp1:
0x19: {  	p1 =	slt.u32 s11, $0x2;
	(pc) =	sbr.rel @!p2 .LBB1_6-.Ltmp1, $4  }
0x1a: {  	s15 =	simm.s32 @!p1 $0x2  }
0x1b: {  	s13 =	smov.u32 s10;
	p0 =	por !p0, !p0;
	_ =	swait.ge @!p1 [sflag:s15], $0x2000  }
0x1c: {  	s12 =	smov.u32 s9;
	[sflag:s15] =	ssyncset.done @!p1 $0x0;
	s9 =	smov.u32 s14  }
0x1d: {  	s11 =	sadd.s32 $0x1, s11;
	[sflag:s15] =	ssyncadd.s32 @!p1 $0xFFFFE000;
	s10 =	smov.u32 s16  }
.LBB1_1:
0x1e: {  	p1 =	sge.u32 s11, s5  }
0x1f: {  	s14 =	sand.u32 @!p1 $0x1FFFFFF, s9  }
0x20: {  	s15 =	smulhi.u32 @!p1 $0x4924925, s14;
	_ =	sdelay $0x1  }
0x21: {  	s15 =	smul.u32 @!p1 $0x38, s15  }
0x22: {  	s16 =	sxor.u32 @!p1 $0xFFFFFFFF, s11;
	s17 =	smul.u32 @!p1 $0x380, s10  }
0x23: {  	s31 =	sadd.s32 $0xFFFFFFFF, s11;
	s16 =	sshll.u32 @!p1 s16, $0xD;
	s14 =	ssub.s32 @!p1 s14, s15  }
0x24: {  	s15 =	sand.u32 @!p1 $0x2000, s16;
	s16 =	sadd.s32 @!p1 s6, s17;
	s14 =	sshll.u32 @!p1 s14, $0x4  }
0x25: {  	s17 =	simm.s32 @!p1 $0x1C00;
	s14 =	sadd.s32 @!p1 s14, s16;
	s16 =	simm.s32 @!p1 $0x40  }
0x26: {  	[tilespmem:s15], [sflag:$0x1] =	stream.strided.gather @!p1 [hbm4b:s14+s16], $0x2000, s17, s16, $0x38;
	[tilespmem:$0x8080] =	vst v63  }
0x27: {  	p1 =	sge.u32 s31, s5  }
.Ltmp2:
0x28: {  	_ = 	snop;
	(pc) =	sbr.rel @p1 .LBB1_5-.Ltmp2, $1  }
0x29: {  	_ =	sdelay $0x3  }
0x2a: {  	s14 =	simm.s32 $0x1  }
0x2b: {  	_ =	swait.ge [sflag:s4], $0x2000;
	s14 =	simm.s32 @!p0 $0x0  }
0x2c: {  	[sflag:s4] =	ssyncset.done $0x0;
	s15 =	sshll.u32 s14, $0xD  }
0x2d: {  	[sflag:s4] =	ssyncadd.s32 $0xFFFFE000;
	s18 =	sor.u32 $0x20, s15  }
0x2e: {  	s14 =	smul.u32 $0x8100, s14;
	v3 =	vld [tilespmem:s18+$0x10]  }
0x2f: {  	s30 =	sand.u32 $0x1, s11;
	v2 =	vld [tilespmem:s18+$0xFFFFFFF0]  }
0x30: {  	s15 =	smul.u32 $0x8100, s30;
	s14 =	sshrl.u32 s14, $0x2;
	v0 =	vld [tilespmem:s18+$0x0]  }
0x31: {  	v1 =	vld [tilespmem:s18+$0xFFFFFFE0];
	s16 =	sor.u32 $0x4000, s14  }
0x32: {  	s31 =	sshrl.u32 s15, $0x2;
	s15 =	sadd.s32 $0x0, s16  }
0x33: {  	s17 =	simm.s32 $0x4;
	s18 =	sadd.s32 $0x40, s18;
	s14 =	sor.u32 $0x4000, s31;
	[tilespmem:s15+$0x1830 ss:$0x81] =	vst.msk $0xffff, v3  }
.LBB1_3:
0x34: {  	v3 =	vld [tilespmem:s18+$0x10];
	p1 =	sne.s32 s17, $0x1FC;
	[tilespmem:s15+$0x810 ss:$0x81] =	vst.msk $0xffff, v2;
	s19 =	smov.u32 s17;
	s17 =	sadd.s32 $0x4, s17  }
.Ltmp3:
0x35: {  	v2 =	vld [tilespmem:s18+$0xFFFFFFF0];
	[tilespmem:s15+$0x1020 ss:$0x81] =	vst.msk $0xffff, v0;
	(pc) =	sbr.rel @p1 .LBB1_3-.Ltmp3, $4  }
0x36: {  	v0 =	vld [tilespmem:s18+$0x0];
	[tilespmem:s15+$0x0 ss:$0x81] =	vst.msk $0xffff, v1  }
0x37: {  	s15 =	sshra.s32 s19, $0x2;
	v1 =	vld [tilespmem:s18+$0xFFFFFFE0]  }
0x38: {  	s15 =	sadd.s32 s15, s16  }
0x39: {  	s18 =	sadd.s32 $0x40, s18;
	[tilespmem:s15+$0x1830 ss:$0x81] =	vst.msk $0xffff, v3  }
.Ltmp4:
0x3a: {  	_ = 	snop;
	(pc) =	sbr.rel .LBB1_4-.Ltmp4, $1  }
0x3b: {  	_ =	sdelay $0x3  }
.LBB1_6:
0x3c: {  	_ =	sfence.sel $0x180000  }
0x3d: {  	s2 =	simm.s32 $0x1;
	[bflag:$0x0] =	sbarrier.arrive $0xFFFF  }
0x3e: {  	s31 =	simm.s32 $0x2;
	[sflag:s2] =	ssyncpa.u1 $0x1  }
0x3f: {  	[sflag:s31] =	ssyncpa.u1 $0x1  }
0x40: {  	p0 =	sne.s32 s0, $0x0;
	_ =	strace $0x90000053  }
0x41: {  	s0 =	sadd.s32 @!p0 $0x100000, s1;
	[bflag:$0x2] =	sbarrier.arrive $0xFFFF  }
0x42: {  	[sflag:s0] =	ssyncadd.tile.s32 @!p0 $0x1;
	_ =	shalt  }
.Lfunc_end1:
_tile_overlayer_lowered:
.L_overlay_start_2:
0x43: {  	(tag) =	ssettag $0x2  }
0x44: {  	s0 =	rddreg [dreg:$0x0];
	s2 =	stileid.u32  }
0x45: {  	s1 =	rddreg [dreg:$0x1];
	p0 =	sne.s32 s2, $0x0  }
0x46: {  	s3 =	rddreg [dreg:$0x2];
	[bflag:$0x3] =	sbarrier.arrive $0xFFFF;
	s2 =	simm.s32 @!p0 $0x1C01  }
0x47: {  	[timem:s3], [sflag:s2] =	dma.local @!p0 [hbm:s0], s1  }
0x48: {  	s0 =	simm.s32 @!p0 $0x1  }
0x49: {  	_ =	swait.ge @!p0 [sflag:s0], s1  }
0x4a: {  	s1 =	ssub.s32 @!p0 $0x0, s1;
	[sflag:s0] =	ssyncset.done @!p0 $0x0  }
0x4b: {  	[sflag:s0] =	ssyncadd.s32 @!p0 s1  }
0x4c: {  	[bflag:$0x3] =	sbarrier.arrive $0xFFFF  }
0x4d: {  	_ =	shalt  }

// kernel: sparse-core-data-format-call.3.cloned.1.call-start
scs
called_computation.3_lowered:
.L_overlay_start_0:
0x0: {  	s2 =	sld [smem:$0x3FD9]  }
0x1: {  	s3 =	sld [smem:$0x3FFE];
	_ =	sdelay $0x1  }
0x2: {  	s1 =	srdreg.scid  }
0x3: {  	s0 =	sand.u32 $0x1, s1  }
0x4: {  	s15 =	sshll.u32 s0, $0xA;
	s2 =	sadd.s32 s3, s2  }
0x5: {  	s2 =	sadd.s32 s2, s15  }
0x6: {  	[smem:$0x3FC6] =	sst s2  }
0x7: {  	_ = 	snop  }
0x8: {  	s2 =	sld [smem:$0x3FD0];
	_ =	sdelay $0x2  }
0x9: {  	s16 =	simm.s32 $0xB;
	s4 =	simm.s32 $0x10  }
0xa: {  	[smem:s4], [sflag:s16] =	dma.local [hbm:s2], $0x1  }
0xb: {  	_ =	swait.eq [sflag:s16], $0x1  }
0xc: {  	[sflag:s16] =	ssyncset.done $0x0  }
0xd: {  	[sflag:s16] =	ssyncadd.s32 $0xFFFFFFFF  }
0xe: {  	s17 =	sld [smem:$0x12];
	(tm) =	ssettm $0x1  }
0xf: {  	s18 =	sld [smem:$0x3FFB];
	_ =	sdelay $0x3  }
0x10: {  	_ =	strace s18  }
0x11: {  	s3 =	sld [smem:$0x3FFC];
	_ =	sdelay $0x3  }
0x12: {  	_ =	strace s3  }
0x13: {  	s3 =	sld [smem:$0x3FFD];
	_ =	sdelay $0x3  }
0x14: {  	_ =	strace s3  }
0x15: {  	_ =	strace $0x8FFFFFFF  }
0x16: {  	s19 =	sld [smem:$0x3FDB];
	_ =	sdelay $0x1  }
0x17: {  	s20 =	simm.s32 $_scs_section_size  }
0x18: {  	s5 =	simm.s32 $_size__tile_overlayer_lowered;
	s6 =	simm.s32 $_tile_overlayer_lowered  }
0x19: {  	s23 =	simm.s32 $0x1BFF;
	s22 =	sshll.u32 s6, $0x1;
	s3 =	sadd.s32 s20, s19  }
0x1a: {  	s7 =	simm.s32 $0x0;
	s21 =	sshll.u32 s5, $0x1;
	s5 =	sadd.s32 s22, s3  }
0x1b: {  	[timem:s7], [sflag:s23] =	dma.local [hbm:s5], s21  }
0x1c: {  	_ =	swait.ge [sflag:s23], s21  }
0x1d: {  	s4 =	ssub.s32 $0x0, s21;
	[sflag:s23] =	ssyncset.done $0x0  }
0x1e: {  	[sflag:s23] =	ssyncadd.s32 s4;
	_ =	sdelay $0x1  }
0x1f: {  	s24 =	simm.s32 $0x1B8B  }
0x20: {  	_ =	swait.ge [sflag:s24], $0x1  }
0x21: {  	[sflag:s24] =	ssyncset.done $0x0  }
0x22: {  	s26 =	simm.s32 $0x1B8E;
	s25 =	sld [smem:$0x3FFE];
	[sflag:s24] =	ssyncadd.s32 $0xFFFFFFFF  }
0x23: {  	s27 =	simm.s32 $execute0_lowered;
	[smem:$0x3FD2] =	sst s26  }
0x24: {  	s5 =	sshll.u32 s27, $0x1;
	_ =	strace $0x80000046;
	[dreg:$0x1] =	wrdreg $0xFFFFFFFF  }
0x25: {  	s28 =	simm.s32 $_size_execute0_lowered;
	s3 =	sadd.s32 s3, s5;
	[dreg:$0x0] =	wrdreg $0x0  }
0x26: {  	s5 =	sshll.u32 s28, $0x1;
	[dreg:$0x2] =	wrdreg s3  }
0x27: {  	[dreg:$0x3] =	wrdreg s5  }
0x28: {  	[dreg:$0x4] =	wrdreg $0xC0  }
0x29: {  	_ =	task [dreg:s7], $0x5FFFF  }
0x2a: {  	[dreg:$0x1] =	wrdreg $0xFFFFFFFF  }
0x2b: {  	[dreg:$0x0] =	wrdreg $0x60  }
0x2c: {  	[dreg:$0x2] =	wrdreg s17  }
0x2d: {  	[dreg:$0x3] =	wrdreg s25  }
0x2e: {  	[dreg:$0x4] =	wrdreg $0xA  }
0x2f: {  	_ =	task.clear_ibuf [dreg:s7], $0x5FFFF;
	_ =	strace $0x90000046  }
0x30: {  	s29 =	simm.s32 $0xA;
	_ =	strace $0x80000048  }
0x31: {  	_ =	swait.ge [sflag:s29], $0x1  }
0x32: {  	[sflag:s29] =	ssyncadd.s32 $0xFFFFFFFF  }
0x33: {  	_ =	strace $0x90000048  }
0x34: {  	_ =	sfence  }
0x35: {  	s30 =	sld [smem:$0x0];
	_ =	sdelay $0x2  }
0x36: {  	s31 =	sshll.u32 s1, $0xD;
	s1 =	sshrl.u32 s1, $0x2  }
0x37: {  	s3 =	sand.u32 $0x4000, s31;
	s1 =	sadd.s32 s1, s30  }
0x38: {  	s0 =	sor.u32 s3, s0;
	s1 =	sshll.u32 s1, $0x11  }
0x39: {  	s0 =	sor.u32 s1, s0  }
0x3a: {  	s0 =	sadd.s32 $0x8F2B, s0  }
0x3b: {  	[sflag:s0] =	ssyncadd.remote.s32 $0x1  }
0x3c: {  	_ =	sfence.sel $0xFFFF  }
0x3d: {  	[dreg:$0x0] =	wrdreg $0xFFFFFFFF;
	(pc) =	sbr.abs _section_cstart, $3  }
0x3e: {  	[dreg:$0x1] =	wrdreg $0xFFFFFFFF  }
0x3f: {  	_ =	task.clear_ibuf [dreg:s7], $0x2FFFF;
	_ =	strace $0x9FFFFFFF  }
0x40: {  	(tm) =	ssettm $0x7FFFFFFF  }
0x41: {  	_ =	shalt  }
tec
execute0_lowered:
.L_overlay_start_1:
0x0: {  	(tag) =	ssettag $0x1  }
0x1: {  	s0 =	srdreg.scid;
	s2 =	rddreg [dreg:$0x0]  }
0x2: {  	s6 =	rddreg [dreg:$0x1];
	s1 =	sshll.u32 s0, $0x4  }
0x3: {  	s7 =	simm.s32 $0x1;
	s0 =	stileid.u32;
	s1 =	sand.u32 $0x10, s1  }
0x4: {  	s8 =	simm.s32 $0x2;
	s13 =	simm.s32 $0x0;
	s1 =	sor.u32 s0, s1  }
0x5: {  	s12 =	simm.s32 $0x0;
	s10 =	simm.s32 $0x0;
	s3 =	sshll.u32 s1, $0x8  }
0x6: {  	s11 =	simm.s32 $0x0;
	s6 =	sadd.s32 $0x2200, s6;
	s5 =	ssub.s32 $0x32000, s3  }
.Ltmp0:
0x7: {  	s1 =	rddreg [dreg:$0x2];
	s4 =	sand.u32 $0x1F00, s5;
	(pc) =	sbr.rel .LBB1_1-.Ltmp0, $4  }
0x8: {  	_ =	strace $0x80000047;
	s9 =	smov.u32 s3;
	p0 =	sne.s32 s4, $0x0  }
0x9: {  	s5 =	sshrl.u32 s5, $0xD;
	s4 =	simm.s32 $0x1;
	s7 =	simm.s32 @!p0 $0x0  }
0xa: {  	[sflag:s4] =	ssyncpa.u1 $0x0;
	p0 =	por $0x0, $0x0;
	s5 =	sadd.s32 s7, s5  }
0xb: {  	[sflag:s8] =	ssyncpa.u1 $0x0;
	s8 =	simm.s32 $0x80;
	s7 =	sadd.s32 $0x1, s5  }
.LBB1_4:
0xc: {  	_ =	sdelay $0x3  }
0xd: {  	s21 =	sor.u32 s24, s23;
	v47 =	vld.idx.msk [tilespmem:v0+s16+$0x470 ss:$0x1], $0xffff  }
0xe: {  	v57 =	vld.idx.msk [tilespmem:v0+s21+$0x410 ss:$0x1], $0xffff  }
0xf: {  	v58 =	vld.idx.msk [tilespmem:v0+s21+$0x420 ss:$0x1], $0xffff  }
0x10: {  	[tilespmem:s18+$0x1860 ss:$0x41] =	vst.msk $0xffff, v8;
	v59 =	vld.idx.msk [tilespmem:v0+s21+$0x430 ss:$0x1], $0xffff  }
0x11: {  	[tilespmem:s18+$0x1C70 ss:$0x41] =	vst.msk $0xffff, v7;
	v60 =	vld.idx.msk [tilespmem:v0+s21+$0x440 ss:$0x1], $0xffff  }
0x12: {  	[tilespmem:s18+$0x2490 ss:$0x41] =	vst.msk $0xffff, v1;
	s22 =	sand.u32 $0x3B00, s21;
	v61 =	vld.idx.msk [tilespmem:v0+s21+$0x450 ss:$0x1], $0xffff  }
0x13: {  	s20 =	sand.u32 $0x80, s20;
	[tilespmem:s18+$0x28A0 ss:$0x41] =	vst.msk $0xffff, v2;
	v62 =	vld.idx.msk [tilespmem:v0+s21+$0x460 ss:$0x1], $0xffff;
	s15 =	sadd.s32 s22, s15  }
0x14: {  	[tilespmem:s18+$0x2CB0 ss:$0x41] =	vst.msk $0xffff, v3;
	v63 =	vld.idx.msk [tilespmem:v0+s21+$0x470 ss:$0x1], $0xffff;
	s15 =	sadd.s32 s20, s15  }
0x15: {  	[tilespmem:s18+$0x30C0 ss:$0x41] =	vst.msk $0xffff, v4;
	v48 =	vld [tilespmem:s15+$0x400]  }
0x16: {  	[tilespmem:s18+$0x34D0 ss:$0x41] =	vst.msk $0xffff, v5;
	v49 =	vld [tilespmem:s15+$0x0]  }
0x17: {  	s25 =	sshra.s32 s19, $0x2;
	[tilespmem:s18+$0x38E0 ss:$0x41] =	vst.msk $0xffff, v6;
	v50 =	vld [tilespmem:s15+$0x10]  }
0x18: {  	s16 =	sadd.s32 s25, s17;
	v51 =	vld [tilespmem:s15+$0x20];
	[tilespmem:s18+$0x3CF0 ss:$0x41] =	vst.msk $0xffff, v47  }
0x19: {  	v52 =	vld [tilespmem:s15+$0x30];
	[tilespmem:s16+$0x2490 ss:$0x41] =	vst.msk $0xffff, v57  }
0x1a: {  	v53 =	vld [tilespmem:s15+$0x40];
	[tilespmem:s16+$0x28A0 ss:$0x41] =	vst.msk $0xffff, v58  }
0x1b: {  	v54 =	vld [tilespmem:s15+$0x50];
	[tilespmem:s16+$0x2CB0 ss:$0x41] =	vst.msk $0xffff, v59  }
0x1c: {  	s13 =	sshll.u32 s13, $0x7;
	s26 =	sshll.u32 s12, $0x3;
	v55 =	vld [tilespmem:s15+$0x60];
	[tilespmem:s16+$0x30C0 ss:$0x41] =	vst.msk $0xffff, v60  }
0x1d: {  	s27 =	sand.u32 $0xFFFFFC00, s13;
	v56 =	vld [tilespmem:s15+$0x70];
	s15 =	sand.u32 $0xFFFFFC00, s26;
	[tilespmem:s16+$0x34D0 ss:$0x41] =	vst.msk $0xffff, v61  }
0x1e: {  	s13 =	sand.u32 $0x380, s13;
	s15 =	sadd.s32 s15, s27;
	[tilespmem:s16+$0x38E0 ss:$0x41] =	vst.msk $0xffff, v62  }
0x1f: {  	s13 =	sor.u32 s13, s15;
	[tilespmem:s16+$0x3CF0 ss:$0x41] =	vst.msk $0xffff, v63  }
0x20: {  	s13 =	sshrl.u32 s13, $0x7;
	[tilespmem:s16+$0x2080 ss:$0x41] =	vst.msk $0xffff, v48  }
0x21: {  	s28 =	smulhi.u32 $0x147AE15, s13;
	[tilespmem:s16+$0x0 ss:$0x41] =	vst.msk $0xffff, v49  }
0x22: {  	[tilespmem:s16+$0x410 ss:$0x41] =	vst.msk $0xffff, v50  }
0x23: {  	[tilespmem:s16+$0x820 ss:$0x41] =	vst.msk $0xffff, v51;
	s15 =	sshrl.u32 s28, $0xA  }
0x24: {  	[tilespmem:s16+$0xC30 ss:$0x41] =	vst.msk $0xffff, v52;
	s15 =	smul.u32 $0x32000, s15  }
0x25: {  	s29 =	sshrl.u32 s12, $0x3;
	[tilespmem:s16+$0x1040 ss:$0x41] =	vst.msk $0xffff, v53  }
0x26: {  	s31 =	sand.u32 $0x7, s12;
	s30 =	sand.u32 $0xF, s29;
	[tilespmem:s16+$0x1450 ss:$0x41] =	vst.msk $0xffff, v54;
	s13 =	ssub.s32 s13, s15  }
0x27: {  	s12 =	sshll.u32 s31, $0x12;
	[tilespmem:s16+$0x1860 ss:$0x41] =	vst.msk $0xffff, v55;
	s15 =	sadd.s32 s6, s30;
	s13 =	sshll.u32 s13, $0x4  }
0x28: {  	s12 =	sor.u32 $0x40, s12;
	[tilespmem:s16+$0x1C70 ss:$0x41] =	vst.msk $0xffff, v56;
	s13 =	sadd.s32 s13, s15  }
0x29: {  	[hbm4b:s13+s12] =	stream.strided.scatter [tilespmem:s14], [sflag:$0x2], $0x4000, s8, s12, $0x18;
	[tilespmem:$0x10200] =	vst v63  }
.LBB1_5:
0x2a: {  	s14 =	sadd.s32 $0x2000, s9  }
0x2b: {  	s12 =	sadd.s32 $0x40, s10;
	s16 =	smov.u32 s10;
	p2 =	sgt.s32 s14, $0x31FFF  }
0x2c: {  	s16 =	smov.u32 @p2 s12  }
0x2d: {  	s14 =	smov.u32 @p2 s3;
	p2 =	sgt.s32 s16, $0x3E  }
0x2e: {  	s16 =	simm.s32 @p2 $0x0;
	p2 =	sne.s32 s11, s7  }
.Ltmp1:
0x2f: {  	p1 =	slt.u32 s11, $0x2;
	(pc) =	sbr.rel @!p2 .LBB1_6-.Ltmp1, $4  }
0x30: {  	s15 =	simm.s32 @!p1 $0x2  }
0x31: {  	s13 =	smov.u32 s9;
	p0 =	por !p0, !p0;
	_ =	swait.ge @!p1 [sflag:s15], $0x4000  }
0x32: {  	s12 =	smov.u32 s10;
	[sflag:s15] =	ssyncset.done @!p1 $0x0;
	s9 =	smov.u32 s14  }
0x33: {  	s11 =	sadd.s32 $0x1, s11;
	[sflag:s15] =	ssyncadd.s32 @!p1 $0xFFFFC000;
	s10 =	smov.u32 s16  }
.LBB1_1:
0x34: {  	p1 =	sge.u32 s11, s5  }
0x35: {  	s14 =	sshrl.u32 @!p1 s10, $0x3  }
0x36: {  	s15 =	sshll.u32 @!p1 s9, $0x3;
	s16 =	sshll.u32 @!p1 s10, $0x7;
	s14 =	smul.u32 @!p1 $0x190000, s14  }
0x37: {  	s17 =	sand.u32 @!p1 $0x7F, s9;
	s15 =	sand.u32 @!p1 $0xFFFFFC00, s15;
	s16 =	sand.u32 @!p1 $0x380, s16  }
0x38: {  	s14 =	sadd.s32 @!p1 s14, s15;
	s15 =	sor.u32 @!p1 s17, s16  }
0x39: {  	s15 =	sor.u32 @!p1 s14, s15  }
0x3a: {  	s16 =	smulhi.u32 @!p1 $0x51EB851F, s15;
	_ =	sdelay $0x1  }
0x3b: {  	s14 =	smulhi.u32 @!p1 $0x51EB851F, s14;
	s16 =	sshrl.u32 @!p1 s16, $0x10  }
0x3c: {  	s16 =	smul.u32 @!p1 $0x32000, s16  }
0x3d: {  	s31 =	sadd.s32 $0xFFFFFFFF, s11;
	s17 =	sxor.u32 @!p1 $0xFFFFFFFF, s11;
	s14 =	sshrl.u32 @!p1 s14, $0x10  }
0x3e: {  	s17 =	sshll.u32 @!p1 s17, $0xE;
	s14 =	sand.u32 @!p1 $0x3F, s14;
	s15 =	ssub.s32 @!p1 s15, s16  }
0x3f: {  	s14 =	smul.u32 @!p1 $0x6400, s14;
	s16 =	sshrl.u32 @!p1 s15, $0x3;
	s15 =	sand.u32 @!p1 $0x7, s15  }
0x40: {  	s17 =	sand.u32 @!p1 $0x4000, s17;
	s16 =	sadd.s32 @!p1 s2, s16;
	s15 =	sshll.u32 @!p1 s15, $0x12  }
0x41: {  	s14 =	sadd.s32 @!p1 s14, s16;
	s15 =	sor.u32 @!p1 $0x800, s15;
	s16 =	simm.s32 @!p1 $0x190000  }
0x42: {  	[tilespmem:s17], [sflag:$0x1] =	stream.strided.gather @!p1 [hbm4b:s14+s15], $0x4000, s16, s15, $0x38;
	[tilespmem:$0x10200] =	vst v63  }
0x43: {  	p1 =	sge.u32 s31, s5  }
.Ltmp2:
0x44: {  	_ = 	snop;
	(pc) =	sbr.rel @p1 .LBB1_5-.Ltmp2, $1  }
0x45: {  	_ =	sdelay $0x3  }
0x46: {  	s17 =	simm.s32 $0x0  }
0x47: {  	s16 =	sand.u32 $0x3800, s17;
	s18 =	sand.u32 $0x380, s17  }
0x48: {  	s14 =	sand.u32 $0x1, s11;
	s16 =	sor.u32 s18, s16  }
0x49: {  	_ =	swait.ge [sflag:s4], $0x4000;
	s15 =	sshll.u32 s14, $0xE;
	s18 =	sand.u32 $0x3B00, s16  }
0x4a: {  	[sflag:s4] =	ssyncset.done $0x0;
	s17 =	sand.u32 $0x80, s17;
	s18 =	sadd.s32 s18, s15  }
0x4b: {  	[sflag:s4] =	ssyncadd.s32 $0xFFFFC000;
	s20 =	sadd.s32 s17, s18  }
0x4c: {  	v4 =	vld [tilespmem:s20+$0x400]  }
0x4d: {  	s19 =	simm.s32 $0x1;
	v5 =	vld [tilespmem:s20+$0x0]  }
0x4e: {  	s19 =	simm.s32 @!p0 $0x0;
	v6 =	vld [tilespmem:s20+$0x10]  }
0x4f: {  	v0 =	vmov s15;
	s31 =	smul.u32 $0x10400, s19;
	v7 =	vld [tilespmem:s20+$0x20]  }
0x50: {  	v9 =	vld [tilespmem:s20+$0x30]  }
0x51: {  	s17 =	sshrl.u32 s31, $0x2;
	v10 =	vld [tilespmem:s20+$0x40]  }
0x52: {  	s17 =	sor.u32 $0x8000, s17;
	v11 =	vld [tilespmem:s20+$0x50]  }
0x53: {  	v8 =	vld [tilespmem:s20+$0x60];
	s18 =	sadd.s32 $0x0, s17  }
0x54: {  	v1 =	vld.idx.msk [tilespmem:v0+s16+$0x410 ss:$0x1], $0xffff;
	[tilespmem:s18+$0x2080 ss:$0x41] =	vst.msk $0xffff, v4  }
0x55: {  	v2 =	vld.idx.msk [tilespmem:v0+s16+$0x420 ss:$0x1], $0xffff;
	[tilespmem:s18+$0x0 ss:$0x41] =	vst.msk $0xffff, v5  }
0x56: {  	v3 =	vld.idx.msk [tilespmem:v0+s16+$0x430 ss:$0x1], $0xffff;
	[tilespmem:s18+$0x410 ss:$0x41] =	vst.msk $0xffff, v6  }
0x57: {  	s14 =	smul.u32 $0x10400, s14;
	[tilespmem:s18+$0x820 ss:$0x41] =	vst.msk $0xffff, v7;
	v7 =	vld [tilespmem:s20+$0x70]  }
0x58: {  	s21 =	simm.s32 $0x100;
	s22 =	simm.s32 $0x8;
	[tilespmem:s18+$0xC30 ss:$0x41] =	vst.msk $0xffff, v9;
	v4 =	vld.idx.msk [tilespmem:v0+s16+$0x440 ss:$0x1], $0xffff  }
0x59: {  	s23 =	sand.u32 $0x3800, s21;
	s14 =	sshrl.u32 s14, $0x2;
	[tilespmem:s18+$0x1040 ss:$0x41] =	vst.msk $0xffff, v10;
	v5 =	vld.idx.msk [tilespmem:v0+s16+$0x450 ss:$0x1], $0xffff;
	s20 =	simm.s32 $0x80  }
0x5a: {  	s19 =	simm.s32 $0x4;
	s14 =	sor.u32 $0x8000, s14;
	[tilespmem:s18+$0x1450 ss:$0x41] =	vst.msk $0xffff, v11;
	v6 =	vld.idx.msk [tilespmem:v0+s16+$0x460 ss:$0x1], $0xffff;
	s24 =	sand.u32 $0x380, s20  }
.LBB1_3:
0x5b: {  	p1 =	sne.s32 s22, $0xFC;
	[tilespmem:s18+$0x1860 ss:$0x41] =	vst.msk $0xffff, v8;
	v8 =	vld.idx.msk [tilespmem:v0+s16+$0x470 ss:$0x1], $0xffff;
	s16 =	sor.u32 s24, s23  }
0x5c: {  	s23 =	sand.u32 $0x3B00, s16;
	v9 =	vld.idx.msk [tilespmem:v0+s16+$0x410 ss:$0x1], $0xffff;
	[tilespmem:s18+$0x1C70 ss:$0x41] =	vst.msk $0xffff, v7  }
0x5d: {  	s24 =	sand.u32 $0x80, s20;
	s23 =	sadd.s32 s23, s15;
	v7 =	vld.idx.msk [tilespmem:v0+s16+$0x420 ss:$0x1], $0xffff;
	[tilespmem:s18+$0x2490 ss:$0x41] =	vst.msk $0xffff, v1  }
0x5e: {  	s23 =	sadd.s32 s24, s23;
	v10 =	vld.idx.msk [tilespmem:v0+s16+$0x430 ss:$0x1], $0xffff;
	[tilespmem:s18+$0x28A0 ss:$0x41] =	vst.msk $0xffff, v2  }
0x5f: {  	v11 =	vld [tilespmem:s23+$0x400];
	[tilespmem:s18+$0x2CB0 ss:$0x41] =	vst.msk $0xffff, v3  }
0x60: {  	v12 =	vld [tilespmem:s23+$0x0];
	[tilespmem:s18+$0x30C0 ss:$0x41] =	vst.msk $0xffff, v4  }
0x61: {  	v4 =	vld [tilespmem:s23+$0x10];
	[tilespmem:s18+$0x34D0 ss:$0x41] =	vst.msk $0xffff, v5  }
0x62: {  	s24 =	sshra.s32 s19, $0x2;
	s19 =	smov.u32 s22;
	v1 =	vmov v9;
	v5 =	vld [tilespmem:s23+$0x20];
	[tilespmem:s18+$0x38E0 ss:$0x41] =	vst.msk $0xffff, v6  }
0x63: {  	v2 =	vmov v7;
	v6 =	vld [tilespmem:s23+$0x30];
	[tilespmem:s18+$0x3CF0 ss:$0x41] =	vst.msk $0xffff, v8;
	s18 =	sadd.s32 s24, s17  }
0x64: {  	v3 =	vmov v10;
	v9 =	vld [tilespmem:s23+$0x40];
	[tilespmem:s18+$0x2080 ss:$0x41] =	vst.msk $0xffff, v11  }
0x65: {  	[tilespmem:s18+$0x0 ss:$0x41] =	vst.msk $0xffff, v12;
	v10 =	vld [tilespmem:s23+$0x50]  }
.Ltmp3:
0x66: {  	[tilespmem:s18+$0x410 ss:$0x41] =	vst.msk $0xffff, v4;
	v8 =	vld [tilespmem:s23+$0x60];
	(pc) =	sbr.rel @p1 .LBB1_3-.Ltmp3, $4  }
0x67: {  	[tilespmem:s18+$0x820 ss:$0x41] =	vst.msk $0xffff, v5;
	v7 =	vld [tilespmem:s23+$0x70]  }
0x68: {  	[tilespmem:s18+$0xC30 ss:$0x41] =	vst.msk $0xffff, v6;
	v4 =	vld.idx.msk [tilespmem:v0+s16+$0x440 ss:$0x1], $0xffff  }
0x69: {  	s20 =	sadd.s32 $0x80, s20;
	s21 =	sadd.s32 $0x100, s21;
	[tilespmem:s18+$0x1040 ss:$0x41] =	vst.msk $0xffff, v9;
	v5 =	vld.idx.msk [tilespmem:v0+s16+$0x450 ss:$0x1], $0xffff  }
0x6a: {  	s22 =	sadd.s32 $0x4, s22;
	s24 =	sand.u32 $0x380, s20;
	s23 =	sand.u32 $0x3800, s21;
	[tilespmem:s18+$0x1450 ss:$0x41] =	vst.msk $0xffff, v10;
	v6 =	vld.idx.msk [tilespmem:v0+s16+$0x460 ss:$0x1], $0xffff  }
.Ltmp4:
0x6b: {  	_ = 	snop;
	(pc) =	sbr.rel .LBB1_4-.Ltmp4, $1  }
0x6c: {  	_ =	sdelay $0x3  }
.LBB1_6:
0x6d: {  	_ =	sfence.sel $0x180000  }
0x6e: {  	s2 =	simm.s32 $0x1;
	[bflag:$0x0] =	sbarrier.arrive $0xFFFF  }
0x6f: {  	s31 =	simm.s32 $0x2;
	[sflag:s2] =	ssyncpa.u1 $0x1  }
0x70: {  	[sflag:s31] =	ssyncpa.u1 $0x1  }
0x71: {  	p0 =	sne.s32 s0, $0x0;
	_ =	strace $0x90000047  }
0x72: {  	s0 =	sadd.s32 @!p0 $0x100000, s1;
	[bflag:$0x2] =	sbarrier.arrive $0xFFFF  }
0x73: {  	[sflag:s0] =	ssyncadd.tile.s32 @!p0 $0x1;
	_ =	shalt  }
.Lfunc_end1:
_tile_overlayer_lowered:
.L_overlay_start_2:
0x74: {  	(tag) =	ssettag $0x2  }
0x75: {  	s0 =	rddreg [dreg:$0x0];
	s2 =	stileid.u32  }
0x76: {  	s1 =	rddreg [dreg:$0x1];
	p0 =	sne.s32 s2, $0x0  }
0x77: {  	s3 =	rddreg [dreg:$0x2];
	[bflag:$0x3] =	sbarrier.arrive $0xFFFF;
	s2 =	simm.s32 @!p0 $0x1C01  }
0x78: {  	[timem:s3], [sflag:s2] =	dma.local @!p0 [hbm:s0], s1  }
0x79: {  	s0 =	simm.s32 @!p0 $0x1  }
0x7a: {  	_ =	swait.ge @!p0 [sflag:s0], s1  }
0x7b: {  	s1 =	ssub.s32 @!p0 $0x0, s1;
	[sflag:s0] =	ssyncset.done @!p0 $0x0  }
0x7c: {  	[sflag:s0] =	ssyncadd.s32 @!p0 s1  }
0x7d: {  	[bflag:$0x3] =	sbarrier.arrive $0xFFFF  }
0x7e: {  	_ =	shalt  }

// kernel: sparse-core-data-format-call.cloned.1.call-start
scs
called_computation_lowered:
.L_overlay_start_0:
0x0: {  	s2 =	sld [smem:$0x3FD9]  }
0x1: {  	s3 =	sld [smem:$0x3FFE];
	_ =	sdelay $0x1  }
0x2: {  	s1 =	srdreg.scid  }
0x3: {  	s0 =	sand.u32 $0x1, s1  }
0x4: {  	s16 =	sshll.u32 s0, $0xA;
	s2 =	sadd.s32 s3, s2  }
0x5: {  	s2 =	sadd.s32 s2, s16  }
0x6: {  	[smem:$0x3FC6] =	sst s2  }
0x7: {  	_ = 	snop  }
0x8: {  	s2 =	sld [smem:$0x3FD0];
	_ =	sdelay $0x2  }
0x9: {  	s17 =	simm.s32 $0xB;
	s4 =	simm.s32 $0x10  }
0xa: {  	[smem:s4], [sflag:s17] =	dma.local [hbm:s2], $0x1  }
0xb: {  	_ =	swait.eq [sflag:s17], $0x1  }
0xc: {  	[sflag:s17] =	ssyncset.done $0x0  }
0xd: {  	[sflag:s17] =	ssyncadd.s32 $0xFFFFFFFF  }
0xe: {  	s18 =	sld [smem:$0x12];
	(tm) =	ssettm $0x1  }
0xf: {  	s19 =	sld [smem:$0x3FFB];
	_ =	sdelay $0x3  }
0x10: {  	_ =	strace s19  }
0x11: {  	s2 =	sld [smem:$0x3FFC];
	_ =	sdelay $0x3  }
0x12: {  	_ =	strace s2  }
0x13: {  	s2 =	sld [smem:$0x3FFD];
	_ =	sdelay $0x3  }
0x14: {  	_ =	strace s2  }
0x15: {  	_ =	strace $0x8FFFFFFF  }
0x16: {  	s20 =	sld [smem:$0x3FDB];
	_ =	sdelay $0x1  }
0x17: {  	s21 =	simm.s32 $_scs_section_size  }
0x18: {  	s5 =	simm.s32 $_size__tile_overlayer_lowered;
	s6 =	simm.s32 $_tile_overlayer_lowered  }
0x19: {  	s7 =	simm.s32 $0x1BFF;
	s22 =	sshll.u32 s6, $0x1;
	s4 =	sadd.s32 s21, s20  }
0x1a: {  	s23 =	simm.s32 $0x0;
	s5 =	sshll.u32 s5, $0x1;
	s6 =	sadd.s32 s22, s4  }
0x1b: {  	[timem:s23], [sflag:s7] =	dma.local [hbm:s6], s5  }
0x1c: {  	_ =	swait.ge [sflag:s7], s5  }
0x1d: {  	s5 =	ssub.s32 $0x0, s5;
	[sflag:s7] =	ssyncset.done $0x0  }
0x1e: {  	[sflag:s7] =	ssyncadd.s32 s5;
	_ =	sdelay $0x1  }
0x1f: {  	s24 =	simm.s32 $0x1B8B  }
0x20: {  	_ =	swait.ge [sflag:s24], $0x1  }
0x21: {  	[sflag:s24] =	ssyncset.done $0x0  }
0x22: {  	[sflag:s24] =	ssyncadd.s32 $0xFFFFFFFF  }
0x23: {  	s5 =	sld [smem:$0x0]  }
0x24: {  	s6 =	sand.u32 $0xFFFFFFFE, s1  }
0x25: {  	p0 =	sne.s32 s1, s6  }
0x26: {  	s6 =	sshll.u32 @p0 s6, $0xE  }
0x27: {  	s6 =	sadd.s32 @p0 $0x11B8D, s6;
	s7 =	sshll.u32 @p0 s5, $0x11  }
0x28: {  	s6 =	sor.u32 @p0 s7, s6  }
0x29: {  	[sflag:s6] =	ssyncadd.remote.s32 @p0 $0x1;
	_ =	sdelay $0x1  }
0x2a: {  	s6 =	simm.s32 @p0 $0x1B8D  }
0x2b: {  	_ =	swait.eq @p0 [sflag:s6], $0x1  }
0x2c: {  	[sflag:s6] =	ssyncadd.s32 @p0 $0xFFFFFFFF  }
0x2d: {  	s7 =	sshll.u32 @!p0 s1, $0xE  }
0x2e: {  	s7 =	sor.u32 @!p0 $0x4000, s7;
	s6 =	simm.s32 @!p0 $0x1B8D  }
0x2f: {  	s5 =	sshll.u32 @!p0 s5, $0x11;
	s7 =	sadd.s32 @!p0 $0x11B8D, s7;
	_ =	swait.eq @!p0 [sflag:s6], $0x1  }
0x30: {  	s5 =	sor.u32 @!p0 s5, s7;
	[sflag:s6] =	ssyncadd.s32 @!p0 $0xFFFFFFFF  }
0x31: {  	s26 =	simm.s32 $0x1B8E;
	s25 =	sld [smem:$0x3FFE];
	[sflag:s5] =	ssyncadd.remote.s32 @!p0 $0x1  }
0x32: {  	s27 =	simm.s32 $execute0_lowered;
	[smem:$0x3FD2] =	sst s26  }
0x33: {  	s6 =	sshll.u32 s27, $0x1;
	_ =	strace $0x8000004F;
	[dreg:$0x1] =	wrdreg $0xFFFFFFFF  }
0x34: {  	s28 =	simm.s32 $_size_execute0_lowered;
	s4 =	sadd.s32 s4, s6;
	[dreg:$0x0] =	wrdreg $0x0  }
0x35: {  	s6 =	sshll.u32 s28, $0x1;
	[dreg:$0x2] =	wrdreg s4  }
0x36: {  	[dreg:$0x3] =	wrdreg s6  }
0x37: {  	[dreg:$0x4] =	wrdreg $0xC0  }
0x38: {  	_ =	task [dreg:s23], $0x5FFFF  }
0x39: {  	[dreg:$0x1] =	wrdreg $0xFFFFFFFF  }
0x3a: {  	[dreg:$0x0] =	wrdreg $0x60  }
0x3b: {  	[dreg:$0x2] =	wrdreg s25  }
0x3c: {  	[dreg:$0x3] =	wrdreg s18  }
0x3d: {  	[dreg:$0x4] =	wrdreg $0x9  }
0x3e: {  	_ =	task.clear_ibuf [dreg:s23], $0x5FFFF;
	_ =	strace $0x9000004F  }
0x3f: {  	s29 =	simm.s32 $0x9;
	_ =	strace $0x80000051  }
0x40: {  	_ =	swait.ge [sflag:s29], $0x1  }
0x41: {  	[sflag:s29] =	ssyncadd.s32 $0xFFFFFFFF  }
0x42: {  	_ =	strace $0x90000051  }
0x43: {  	_ =	sfence  }
0x44: {  	s30 =	sld [smem:$0x0];
	_ =	sdelay $0x2  }
0x45: {  	s31 =	sshll.u32 s1, $0xD;
	s1 =	sshrl.u32 s1, $0x2  }
0x46: {  	s4 =	sand.u32 $0x4000, s31;
	s1 =	sadd.s32 s1, s30  }
0x47: {  	s0 =	sor.u32 s4, s0;
	s1 =	sshll.u32 s1, $0x11  }
0x48: {  	s0 =	sor.u32 s1, s0  }
0x49: {  	s0 =	sadd.s32 $0x8F2B, s0  }
0x4a: {  	[sflag:s0] =	ssyncadd.remote.s32 $0x1  }
0x4b: {  	_ =	sfence.sel $0xFFFF  }
0x4c: {  	[dreg:$0x0] =	wrdreg $0xFFFFFFFF;
	(pc) =	sbr.abs _section_cstart, $3  }
0x4d: {  	[dreg:$0x1] =	wrdreg $0xFFFFFFFF  }
0x4e: {  	_ =	task.clear_ibuf [dreg:s23], $0x2FFFF;
	_ =	strace $0x9FFFFFFF  }
0x4f: {  	(tm) =	ssettm $0x7FFFFFFF  }
tec
execute0_lowered:
.L_overlay_start_1:
0x0: {  	(tag) =	ssettag $0x1  }
0x1: {  	s0 =	srdreg.scid  }
0x2: {  	s1 =	sshll.u32 s0, $0x4  }
0x3: {  	s0 =	stileid.u32;
	s1 =	sand.u32 $0x10, s1  }
0x4: {  	s1 =	sor.u32 s0, s1  }
0x5: {  	s6 =	rddreg [dreg:$0x0];
	s4 =	simm.s32 $0x1;
	s2 =	sshll.u32 s1, $0x7  }
0x6: {  	s7 =	simm.s32 $0x2;
	s12 =	simm.s32 $0x0;
	s1 =	ssub.s32 $0x1000, s2  }
0x7: {  	s8 =	simm.s32 $0x8000;
	s13 =	simm.s32 $0x0;
	s3 =	sand.u32 $0xF80, s1  }
0x8: {  	s9 =	simm.s32 $0x0;
	s5 =	sshrl.u32 s1, $0xC;
	p0 =	sne.s32 s3, $0x0  }
.Ltmp0:
0x9: {  	s1 =	rddreg [dreg:$0x2];
	s4 =	simm.s32 @!p0 $0x0;
	(pc) =	sbr.rel .LBB1_1-.Ltmp0, $4  }
0xa: {  	s11 =	simm.s32 $0x0;
	s3 =	rddreg [dreg:$0x1];
	s5 =	sadd.s32 s4, s5  }
0xb: {  	_ =	strace $0x80000050;
	s4 =	simm.s32 $0x1;
	s5 =	smul.u32 $0x32, s5  }
0xc: {  	s6 =	sadd.s32 $0x642200, s6;
	s10 =	smov.u32 s2;
	[sflag:s4] =	ssyncpa.u1 $0x0  }
0xd: {  	p0 =	por $0x0, $0x0;
	[sflag:s7] =	ssyncpa.u1 $0x0;
	s7 =	sor.u32 $0x1, s5  }
.LBB1_4:
0xe: {  	s16 =	sshll.u32 s13, $0x3;
	s17 =	sand.u32 $0x78, s13  }
0xf: {  	s30 =	sand.u32 $0x7E00, s13;
	s12 =	sshll.u32 s12, $0xF;
	s16 =	sand.u32 $0xC00, s16  }
0x10: {  	[tilespmem:s15+$0x810 ss:$0x81] =	vst.msk $0xffff, v2;
	s31 =	sand.u32 $0x7, s13;
	s16 =	sor.u32 s17, s16;
	s17 =	sadd.s32 s3, s30  }
0x11: {  	[tilespmem:s15+$0x1020 ss:$0x81] =	vst.msk $0xffff, v0;
	s13 =	sshll.u32 s31, $0x12;
	s12 =	sadd.s32 s12, s17;
	s16 =	sshrl.u32 s16, $0x3  }
0x12: {  	[tilespmem:s15+$0x0 ss:$0x81] =	vst.msk $0xffff, v1;
	s13 =	sor.u32 $0x400, s13;
	s12 =	sadd.s32 s16, s12  }
0x13: {  	[hbm4b:s12+s13] =	stream.strided.scatter [tilespmem:s14], [sflag:$0x2], $0x2000, s8, s13, $0x20;
	[tilespmem:$0x8080] =	vst v63  }
.LBB1_5:
0x14: {  	s14 =	sadd.s32 $0x1, s9  }
0x15: {  	s12 =	sadd.s32 $0x1000, s10;
	s16 =	smov.u32 s10;
	p2 =	sgt.s32 s14, $0x31  }
0x16: {  	s16 =	smov.u32 @p2 s12  }
0x17: {  	s14 =	simm.s32 @p2 $0x0;
	p2 =	sgt.s32 s16, $0xFFF  }
0x18: {  	s16 =	smov.u32 @p2 s2;
	p2 =	sne.s32 s11, s7  }
.Ltmp1:
0x19: {  	p1 =	slt.u32 s11, $0x2;
	(pc) =	sbr.rel @!p2 .LBB1_6-.Ltmp1, $4  }
0x1a: {  	s15 =	simm.s32 @!p1 $0x2  }
0x1b: {  	s13 =	smov.u32 s10;
	p0 =	por !p0, !p0;
	_ =	swait.ge @!p1 [sflag:s15], $0x2000  }
0x1c: {  	s12 =	smov.u32 s9;
	[sflag:s15] =	ssyncset.done @!p1 $0x0;
	s9 =	smov.u32 s14  }
0x1d: {  	s11 =	sadd.s32 $0x1, s11;
	[sflag:s15] =	ssyncadd.s32 @!p1 $0xFFFFE000;
	s10 =	smov.u32 s16  }
.LBB1_1:
0x1e: {  	p1 =	sge.u32 s11, s5  }
0x1f: {  	s14 =	sand.u32 @!p1 $0x1FFFFFF, s9  }
0x20: {  	s15 =	smulhi.u32 @!p1 $0x4924925, s14;
	_ =	sdelay $0x1  }
0x21: {  	s15 =	smul.u32 @!p1 $0x38, s15  }
0x22: {  	s16 =	sxor.u32 @!p1 $0xFFFFFFFF, s11;
	s17 =	smul.u32 @!p1 $0x380, s10  }
0x23: {  	s31 =	sadd.s32 $0xFFFFFFFF, s11;
	s16 =	sshll.u32 @!p1 s16, $0xD;
	s14 =	ssub.s32 @!p1 s14, s15  }
0x24: {  	s15 =	sand.u32 @!p1 $0x2000, s16;
	s16 =	sadd.s32 @!p1 s6, s17;
	s14 =	sshll.u32 @!p1 s14, $0x4  }
0x25: {  	s17 =	simm.s32 @!p1 $0x1C00;
	s14 =	sadd.s32 @!p1 s14, s16;
	s16 =	simm.s32 @!p1 $0x40  }
0x26: {  	[tilespmem:s15], [sflag:$0x1] =	stream.strided.gather @!p1 [hbm4b:s14+s16], $0x2000, s17, s16, $0x38;
	[tilespmem:$0x8080] =	vst v63  }
0x27: {  	p1 =	sge.u32 s31, s5  }
.Ltmp2:
0x28: {  	_ = 	snop;
	(pc) =	sbr.rel @p1 .LBB1_5-.Ltmp2, $1  }
0x29: {  	_ =	sdelay $0x3  }
0x2a: {  	s14 =	simm.s32 $0x1  }
0x2b: {  	_ =	swait.ge [sflag:s4], $0x2000;
	s14 =	simm.s32 @!p0 $0x0  }
0x2c: {  	[sflag:s4] =	ssyncset.done $0x0;
	s15 =	sshll.u32 s14, $0xD  }
0x2d: {  	[sflag:s4] =	ssyncadd.s32 $0xFFFFE000;
	s18 =	sor.u32 $0x20, s15  }
0x2e: {  	s14 =	smul.u32 $0x8100, s14;
	v3 =	vld [tilespmem:s18+$0x10]  }
0x2f: {  	s30 =	sand.u32 $0x1, s11;
	v2 =	vld [tilespmem:s18+$0xFFFFFFF0]  }
0x30: {  	s15 =	smul.u32 $0x8100, s30;
	s14 =	sshrl.u32 s14, $0x2;
	v0 =	vld [tilespmem:s18+$0x0]  }
0x31: {  	v1 =	vld [tilespmem:s18+$0xFFFFFFE0];
	s16 =	sor.u32 $0x4000, s14  }
0x32: {  	s31 =	sshrl.u32 s15, $0x2;
	s15 =	sadd.s32 $0x0, s16  }
0x33: {  	s17 =	simm.s32 $0x4;
	s18 =	sadd.s32 $0x40, s18;
	s14 =	sor.u32 $0x4000, s31;
	[tilespmem:s15+$0x1830 ss:$0x81] =	vst.msk $0xffff, v3  }
.LBB1_3:
0x34: {  	v3 =	vld [tilespmem:s18+$0x10];
	p1 =	sne.s32 s17, $0x1FC;
	[tilespmem:s15+$0x810 ss:$0x81] =	vst.msk $0xffff, v2;
	s19 =	smov.u32 s17;
	s17 =	sadd.s32 $0x4, s17  }
.Ltmp3:
0x35: {  	v2 =	vld [tilespmem:s18+$0xFFFFFFF0];
	[tilespmem:s15+$0x1020 ss:$0x81] =	vst.msk $0xffff, v0;
	(pc) =	sbr.rel @p1 .LBB1_3-.Ltmp3, $4  }
0x36: {  	v0 =	vld [tilespmem:s18+$0x0];
	[tilespmem:s15+$0x0 ss:$0x81] =	vst.msk $0xffff, v1  }
0x37: {  	s15 =	sshra.s32 s19, $0x2;
	v1 =	vld [tilespmem:s18+$0xFFFFFFE0]  }
0x38: {  	s15 =	sadd.s32 s15, s16  }
0x39: {  	s18 =	sadd.s32 $0x40, s18;
	[tilespmem:s15+$0x1830 ss:$0x81] =	vst.msk $0xffff, v3  }
.Ltmp4:
0x3a: {  	_ = 	snop;
	(pc) =	sbr.rel .LBB1_4-.Ltmp4, $1  }
0x3b: {  	_ =	sdelay $0x3  }
.LBB1_6:
0x3c: {  	_ =	sfence.sel $0x180000  }
0x3d: {  	s2 =	simm.s32 $0x1;
	[bflag:$0x0] =	sbarrier.arrive $0xFFFF  }
0x3e: {  	s31 =	simm.s32 $0x2;
	[sflag:s2] =	ssyncpa.u1 $0x1  }
0x3f: {  	[sflag:s31] =	ssyncpa.u1 $0x1  }
0x40: {  	p0 =	sne.s32 s0, $0x0;
	_ =	strace $0x90000050  }
0x41: {  	s0 =	sadd.s32 @!p0 $0x100000, s1;
	[bflag:$0x2] =	sbarrier.arrive $0xFFFF  }
0x42: {  	[sflag:s0] =	ssyncadd.tile.s32 @!p0 $0x1;
	_ =	shalt  }
.Lfunc_end1:
_tile_overlayer_lowered:
.L_overlay_start_2:
0x43: {  	(tag) =	ssettag $0x2  }
0x44: {  	s0 =	rddreg [dreg:$0x0];
	s2 =	stileid.u32  }
0x45: {  	s1 =	rddreg [dreg:$0x1];
	p0 =	sne.s32 s2, $0x0  }
0x46: {  	s3 =	rddreg [dreg:$0x2];
	[bflag:$0x3] =	sbarrier.arrive $0xFFFF;
	s2 =	simm.s32 @!p0 $0x1C01  }
0x47: {  	[timem:s3], [sflag:s2] =	dma.local @!p0 [hbm:s0], s1  }
0x48: {  	s0 =	simm.s32 @!p0 $0x1  }
0x49: {  	_ =	swait.ge @!p0 [sflag:s0], s1  }
0x4a: {  	s1 =	ssub.s32 @!p0 $0x0, s1;
	[sflag:s0] =	ssyncset.done @!p0 $0x0  }
0x4b: {  	[sflag:s0] =	ssyncadd.s32 @!p0 s1  }
0x4c: {  	[bflag:$0x3] =	sbarrier.arrive $0xFFFF  }
0x4d: {  	_ =	shalt  }

</sc_bundles>
